<compile_context>
chip_gen: v7x
topology: tpu7x:2x2x1
jax: 0.10.2.dev20260603
libtpu: 0.0.44.dev20260713+nightly
codegen_flags: <defaults>
</compile_context>

<pallas_src>
import functools

import jax
import jax.numpy as jnp
from jax import lax
from jax.experimental import pallas as pl
from jax.experimental.pallas import tpu as pltpu
from jax.experimental.pallas import tpu_sc as plsc

NC = 2
NS = 16
CH = 128


def _seg_sum_sc(table, eflat, zrows, zdeg, n_pad, width, with_deg, k,
                chunks, e, n):
    nw = NC * NS
    L = chunks * CH
    rl = e - (nw - 1) * L
    rpt = n_pad // NS
    mesh = plsc.VectorSubcoreMesh(core_axis_name="c", subcore_axis_name="s")

    out_type = [jax.ShapeDtypeStruct((NC, n_pad, width), jnp.float32)]
    if with_deg:
        out_type.append(jax.ShapeDtypeStruct((NC, n_pad), jnp.float32))

    scratch = [
        pltpu.VMEM((L,), jnp.int32),
        pltpu.VMEM((L,), jnp.int32),
        pltpu.VMEM((k, CH, width), jnp.float32),
        pltpu.VMEM_SHARED((n_pad, width), jnp.float32),
        pltpu.VMEM_SHARED((n_pad, width), jnp.float32),
        pltpu.SemaphoreType.DMA,
        pltpu.SemaphoreType.DMA,
    ]
    if with_deg:
        scratch += [
            pltpu.VMEM((CH,), jnp.float32),
            pltpu.VMEM_SHARED((n_pad,), jnp.float32),
        ]

    def body(table_h, ef_h, zrows_h, *rest):
        if with_deg:
            (zdeg_h, acc_out, deg_out,
             src_v, dst_v, rows, acc, tbl, sem_g, sem_s, ones, dacc) = rest
        else:
            (acc_out, src_v, dst_v, rows, acc, tbl, sem_g, sem_s) = rest
        c = lax.axis_index("c")
        s = lax.axis_index("s")
        wid = s * NC + c
        off = wid * L
        tile_rows = pl.ds(s * rpt, rpt)
        pltpu.sync_copy(zrows_h.at[tile_rows], acc.at[tile_rows])
        pltpu.sync_copy(table_h.at[tile_rows], tbl.at[tile_rows])

        @pl.when(wid != nw - 1)
        def _():
            pltpu.sync_copy(ef_h.at[pl.ds(off, L)], src_v)
            pltpu.sync_copy(ef_h.at[pl.ds(e + off, L)], dst_v)

        @pl.when(wid == nw - 1)
        def _():
            pltpu.sync_copy(ef_h.at[pl.ds(off, L)], src_v)
            pltpu.sync_copy(ef_h.at[pl.ds(e + off, rl)],
                            dst_v.at[pl.ds(0, rl)])

            def fill(i, carry):
                lane = lax.broadcasted_iota(jnp.int32, (16,), 0)
                dst_v[pl.ds(rl + i * 16, 16)] = (
                    n + (i * 16) % (n_pad - n) + lane)
                return carry

            lax.fori_loop(0, (L - rl) // 16, fill, 0)

        if with_deg:
            pltpu.sync_copy(zdeg_h.at[tile_rows], dacc.at[tile_rows])
            for i in range(CH // 16):
                ones[pl.ds(i * 16, 16)] = jnp.full((16,), 1.0, jnp.float32)
        plsc.subcore_barrier()

        def superchunk(j, carry):
            jk = j * (k * CH)
            gd = [
                pltpu.async_copy(
                    tbl.at[src_v.at[pl.ds(jk + i * CH, CH)]],
                    rows.at[i], sem_g)
                for i in range(k)
            ]
            for d in gd:
                d.wait()
            sd = []
            for i in range(k):
                di = dst_v.at[pl.ds(jk + i * CH, CH)]
                sd.append(pltpu.async_copy(
                    rows.at[i], acc.at[di], sem_s, add=True))
                if with_deg:
                    sd.append(pltpu.async_copy(
                        ones, dacc.at[di], sem_s, add=True))
            for d in sd:
                d.wait()
            return carry

        lax.fori_loop(0, chunks // k, superchunk, 0)
        plsc.subcore_barrier()
        pltpu.sync_copy(acc.at[tile_rows], acc_out.at[c].at[tile_rows])
        if with_deg:
            pltpu.sync_copy(dacc.at[tile_rows], deg_out.at[c].at[tile_rows])

    fn = pl.kernel(
        body, out_type=out_type, mesh=mesh, scratch_types=scratch,
        compiler_params=pltpu.CompilerParams(use_tc_tiling_on_sc=False))
    if with_deg:
        return fn(table, eflat, zrows, zdeg)
    return fn(table, eflat, zrows)


def _tc1(x, w1cT, n, n_pad, h):
    def body(x_ref, w_ref, y1_ref, r1_ref):
        t = jnp.dot(x_ref[...], w_ref[...], preferred_element_type=jnp.float32)
        y1_ref[...] = jnp.concatenate(
            [t[:, :h], jnp.zeros((n_pad - n, h), jnp.float32)])
        r1_ref[...] = t[:, h:]

    return pl.pallas_call(
        body,
        out_shape=[
            jax.ShapeDtypeStruct((n_pad, h), jnp.float32),
            jax.ShapeDtypeStruct((n, h), jnp.float32),
        ],
    )(x, w1cT)


def _tc2(s1p, degp, r1, b1, w2cT, bias8, n, n_pad, tw):
    def body(s1p_ref, degp_ref, r1_ref, b1_ref, w_ref, b4_ref, t2_ref, inv_ref):
        deg = jnp.maximum(degp_ref[0] + degp_ref[1], 1.0)
        inv = (1.0 / deg)[:, None]
        z = (s1p_ref[0] + s1p_ref[1]) * inv
        hh = jax.nn.relu(z[:n] + r1_ref[...] + b1_ref[...])
        t2 = (
            jnp.dot(hh, w_ref[...], preferred_element_type=jnp.float32)
            + b4_ref[...]
        )
        t2_ref[...] = jnp.concatenate(
            [t2, jnp.zeros((n_pad - n, tw), jnp.float32)])
        inv_ref[...] = inv[:n]

    return pl.pallas_call(
        body,
        out_shape=[
            jax.ShapeDtypeStruct((n_pad, tw), jnp.float32),
            jax.ShapeDtypeStruct((n, 1), jnp.float32),
        ],
    )(s1p, degp, r1, b1, w2cT, bias8)


def _tc3(s2p, t2, inv, n):
    def body(s2p_ref, t2_ref, inv_ref, out_ref):
        s2 = s2p_ref[0, :n, :2] + s2p_ref[1, :n, :2]
        out_ref[...] = s2 * inv_ref[...] + t2_ref[:n, 2:4]

    return pl.pallas_call(
        body,
        out_shape=jax.ShapeDtypeStruct((n, 2), jnp.float32),
    )(s2p, t2, inv)


def kernel(x, edge_index, W1_l, b1, W1_r, W2_l, b2, W2_r):
    n, d = x.shape
    h = W1_l.shape[0]
    o = W2_l.shape[0]
    e = edge_index.shape[1]

    nw = NC * NS
    k1, k2 = 5, 8
    kq = k1 * k2
    step = nw * CH * kq
    e_pad = ((e + step - 1) // step) * step
    chunks = e_pad // (nw * CH)
    n_pad = ((n + 128 * NS - 1) // (128 * NS)) * (128 * NS)

    eflat = edge_index.reshape(2 * e)

    w1cT = jnp.concatenate([W1_l, W1_r], axis=0).T
    tw = 8
    w2cT = jnp.concatenate(
        [W2_l, W2_r, jnp.zeros((tw - 2 * o, W2_l.shape[1]), jnp.float32)],
        axis=0).T
    bias8 = jnp.concatenate(
        [jnp.zeros((o,), jnp.float32), b2,
         jnp.zeros((tw - 2 * o,), jnp.float32)])[None, :]

    z32 = jnp.zeros((n_pad, h), jnp.float32)
    z1 = jnp.zeros((n_pad,), jnp.float32)
    z8 = jnp.zeros((n_pad, tw), jnp.float32)

    y1, r1 = _tc1(x, w1cT, n, n_pad, h)
    s1p, degp = _seg_sum_sc(y1, eflat, z32, z1, n_pad, h, True, k1,
                            chunks, e, n)
    t2, inv = _tc2(s1p, degp, r1, b1[None, :], w2cT, bias8, n, n_pad, tw)
    s2p = _seg_sum_sc(t2, eflat, z8, None, n_pad, tw, False, k2,
                      chunks, e, n)[0]
    out = _tc3(s2p, t2, inv, n)
    return out

# --- scband reference (transcript-rebuilt; emitter-appended) ---
"""Pipeline reference for scband-my-graph-sage-8177617732282 (READ-ONLY COPY).

The authoritative reference and input builder live on the scoring server;
editing this copy changes nothing except your own understanding.
"""

import jax, jax.numpy as jnp
import numpy as np

N = 10000
E = 320000
D = 128
H = 32
O = 2


def setup_inputs(seed: int = 0) -> dict:
    key = jax.random.key(seed)
    ks = jax.random.split(key, 9)
    x = jax.random.normal(ks[0], (N, D), dtype=jnp.float32)
    edge_index = jax.random.randint(ks[1], (2, E), 0, N, dtype=jnp.int32)
    # PyG SAGEConv params: lin_l (applied to aggregated neighbors, has bias), lin_r (applied to root, no bias)
    W1_l = jax.random.normal(ks[2], (H, D), dtype=jnp.float32) * (1.0 / np.sqrt(D))
    b1 = jnp.zeros((H,), dtype=jnp.float32)
    W1_r = jax.random.normal(ks[3], (H, D), dtype=jnp.float32) * (1.0 / np.sqrt(D))
    W2_l = jax.random.normal(ks[4], (O, H), dtype=jnp.float32) * (1.0 / np.sqrt(H))
    b2 = jnp.zeros((O,), dtype=jnp.float32)
    W2_r = jax.random.normal(ks[5], (O, H), dtype=jnp.float32) * (1.0 / np.sqrt(H))
    return {"x": x, "edge_index": edge_index, "W1_l": W1_l, "b1": b1, "W1_r": W1_r, "W2_l": W2_l, "b2": b2, "W2_r": W2_r}


def _sage_conv(h, edge_index, Wl, b, Wr):
    src = edge_index[0]
    dst = edge_index[1]
    msgs = jnp.take(h, src, axis=0)
    agg_sum = jax.ops.segment_sum(msgs, dst, num_segments=N)
    deg = jax.ops.segment_sum(jnp.ones((E,), dtype=jnp.float32), dst, num_segments=N)
    agg = agg_sum / jnp.clip(deg, 1.0)[:, None]
    return agg @ Wl.T + b + h @ Wr.T


def reference(x, edge_index, W1_l, b1, W1_r, W2_l, b2, W2_r):
    h = jax.nn.relu(_sage_conv(x, edge_index, W1_l, b1, W1_r))
    out = _sage_conv(h, edge_index, W2_l, b2, W2_r)
    return out

if __name__ == "__main__":
    import jax
    _d = setup_inputs()
    print(jax.jit(kernel)(*tuple(_d.values())))

</pallas_src>

<mosaic_0001>
#map = affine_map<(d0, d1) -> (0, 0)>
#map1 = affine_map<(d0, d1) -> (0)>
#map2 = affine_map<(d0, d1) -> (0, 0, 0)>
module attributes {stable_mosaic.version = 14 : i64} {
  func.func @body(%arg0: i32, %arg1: i32, %arg2: memref<10240x32xf32, #tpu.memory_space<hbm>>, %arg3: memref<640000xi32, #tpu.memory_space<hbm>>, %arg4: memref<10240x32xf32, #tpu.memory_space<hbm>>, %arg5: memref<10240xf32, #tpu.memory_space<hbm>>, %arg6: memref<2x10240x32xf32, #tpu.memory_space<hbm>>, %arg7: memref<2x10240xf32, #tpu.memory_space<hbm>>, %arg8: memref<10240xi32, #tpu.memory_space<vmem>>, %arg9: memref<10240xi32, #tpu.memory_space<vmem>>, %arg10: memref<5x128x32xf32, #tpu.memory_space<vmem>>, %arg11: memref<10240x32xf32, #tpu.memory_space<vmem_shared>>, %arg12: memref<10240x32xf32, #tpu.memory_space<vmem_shared>>, %arg13: memref<!tpu.dma_semaphore, #tpu.memory_space<semaphore_mem>>, %arg14: memref<!tpu.dma_semaphore, #tpu.memory_space<semaphore_mem>>, %arg15: memref<128xf32, #tpu.memory_space<vmem>>, %arg16: memref<10240xf32, #tpu.memory_space<vmem_shared>>) attributes {dimension_semantics = [#tpu.dimension_semantics<core_parallel>, #tpu.dimension_semantics<subcore_parallel>], iteration_bounds = array<i64: 2, 16>, scalar_prefetch = 0 : i64, scratch_operands = 9 : i64, tpu.core_type = #tpu.core_type<sc_vector_subcore>, window_params = [{transform_indices = #map}, {transform_indices = #map1}, {transform_indices = #map}, {transform_indices = #map1}, {transform_indices = #map2}, {transform_indices = #map}]} {
    %mul3A = arith.constant 2 : i32
    %mul3A_0 = arith.muli %arg1, %mul3A : i32
    %add3A = arith.addi %mul3A_0, %arg0 : i32
    %mul3A_1 = arith.constant 10240 : i32
    %mul3A_2 = arith.muli %add3A, %mul3A_1 : i32
    %mul3A_3 = arith.constant 640 : i32
    %mul3A_4 = arith.muli %arg1, %mul3A_3 : i32
    "tpu.region"() ({
      %run_scoped3A = tpu.sem_alloc : memref<!tpu.dma_semaphore, #tpu.memory_space<semaphore_mem>>
      %dma_start3A = arith.constant 0 : i32
      %dma_start3A_63 = tpu.memref_slice %arg11[%mul3A_4, %dma_start3A] : memref<10240x32xf32, #tpu.memory_space<vmem_shared>> -> memref<640x32xf32, #tpu.memory_space<vmem_shared>>
      %dma_start3A_64 = arith.constant 0 : i32
      %dma_start3A_65 = tpu.memref_slice %arg4[%mul3A_4, %dma_start3A_64] : memref<10240x32xf32, #tpu.memory_space<hbm>> -> memref<640x32xf32, #tpu.memory_space<hbm>>
      tpu.enqueue_dma source(%dma_start3A_65 : memref<640x32xf32, #tpu.memory_space<hbm>>) target(%dma_start3A_63 : memref<640x32xf32, #tpu.memory_space<vmem_shared>>) target_semaphore(%run_scoped3A : memref<!tpu.dma_semaphore, #tpu.memory_space<semaphore_mem>>)
      %dma_wait3A = arith.constant 0 : i32
      %dma_wait3A_66 = tpu.memref_slice %arg11[%mul3A_4, %dma_wait3A] : memref<10240x32xf32, #tpu.memory_space<vmem_shared>> -> memref<640x32xf32, #tpu.memory_space<vmem_shared>>
      %dma_wait3A_67 = arith.constant 0 : i32
      %dma_wait3A_68 = tpu.memref_slice %arg4[%mul3A_4, %dma_wait3A_67] : memref<10240x32xf32, #tpu.memory_space<hbm>> -> memref<640x32xf32, #tpu.memory_space<hbm>>
      tpu.wait_dma2 semaphore(%run_scoped3A : memref<!tpu.dma_semaphore, #tpu.memory_space<semaphore_mem>>) src(%dma_wait3A_68 : memref<640x32xf32, #tpu.memory_space<hbm>>) dst(%dma_wait3A_66 : memref<640x32xf32, #tpu.memory_space<vmem_shared>>)
      tpu.yield
    }) : () -> ()
    "tpu.region"() ({
      %run_scoped3A = tpu.sem_alloc : memref<!tpu.dma_semaphore, #tpu.memory_space<semaphore_mem>>
      %dma_start3A = arith.constant 0 : i32
      %dma_start3A_63 = tpu.memref_slice %arg12[%mul3A_4, %dma_start3A] : memref<10240x32xf32, #tpu.memory_space<vmem_shared>> -> memref<640x32xf32, #tpu.memory_space<vmem_shared>>
      %dma_start3A_64 = arith.constant 0 : i32
      %dma_start3A_65 = tpu.memref_slice %arg2[%mul3A_4, %dma_start3A_64] : memref<10240x32xf32, #tpu.memory_space<hbm>> -> memref<640x32xf32, #tpu.memory_space<hbm>>
      tpu.enqueue_dma source(%dma_start3A_65 : memref<640x32xf32, #tpu.memory_space<hbm>>) target(%dma_start3A_63 : memref<640x32xf32, #tpu.memory_space<vmem_shared>>) target_semaphore(%run_scoped3A : memref<!tpu.dma_semaphore, #tpu.memory_space<semaphore_mem>>)
      %dma_wait3A = arith.constant 0 : i32
      %dma_wait3A_66 = tpu.memref_slice %arg12[%mul3A_4, %dma_wait3A] : memref<10240x32xf32, #tpu.memory_space<vmem_shared>> -> memref<640x32xf32, #tpu.memory_space<vmem_shared>>
      %dma_wait3A_67 = arith.constant 0 : i32
      %dma_wait3A_68 = tpu.memref_slice %arg2[%mul3A_4, %dma_wait3A_67] : memref<10240x32xf32, #tpu.memory_space<hbm>> -> memref<640x32xf32, #tpu.memory_space<hbm>>
      tpu.wait_dma2 semaphore(%run_scoped3A : memref<!tpu.dma_semaphore, #tpu.memory_space<semaphore_mem>>) src(%dma_wait3A_68 : memref<640x32xf32, #tpu.memory_space<hbm>>) dst(%dma_wait3A_66 : memref<640x32xf32, #tpu.memory_space<vmem_shared>>)
      tpu.yield
    }) : () -> ()
    %ne3A = arith.constant 31 : i32
    %ne3A_5 = arith.cmpi ne, %add3A, %ne3A : i32
    %convert_element_type3A = arith.extui %ne3A_5 : i1 to i32
    %cond3A = arith.constant 0 : i32
    %cond3A_6 = arith.cmpi ne, %convert_element_type3A, %cond3A : i32
    scf.if %cond3A_6 {
      "tpu.region"() ({
        %run_scoped3A = tpu.sem_alloc : memref<!tpu.dma_semaphore, #tpu.memory_space<semaphore_mem>>
        %dma_start3A = tpu.memref_slice %arg3[%mul3A_2] : memref<640000xi32, #tpu.memory_space<hbm>> -> memref<10240xi32, #tpu.memory_space<hbm>>
        %dma_start3A_65 = tpu.memref_slice %arg3[%mul3A_2] : memref<640000xi32, #tpu.memory_space<hbm>> -> memref<10240xi32, #tpu.memory_space<hbm>>
        tpu.enqueue_dma source(%dma_start3A_65 : memref<10240xi32, #tpu.memory_space<hbm>>) target(%arg8 : memref<10240xi32, #tpu.memory_space<vmem>>) target_semaphore(%run_scoped3A : memref<!tpu.dma_semaphore, #tpu.memory_space<semaphore_mem>>)
        %dma_wait3A = tpu.memref_slice %arg3[%mul3A_2] : memref<640000xi32, #tpu.memory_space<hbm>> -> memref<10240xi32, #tpu.memory_space<hbm>>
        %dma_wait3A_66 = tpu.memref_slice %arg3[%mul3A_2] : memref<640000xi32, #tpu.memory_space<hbm>> -> memref<10240xi32, #tpu.memory_space<hbm>>
        tpu.wait_dma2 semaphore(%run_scoped3A : memref<!tpu.dma_semaphore, #tpu.memory_space<semaphore_mem>>) src(%dma_wait3A_66 : memref<10240xi32, #tpu.memory_space<hbm>>) dst(%arg8 : memref<10240xi32, #tpu.memory_space<vmem>>)
        tpu.yield
      }) : () -> ()
      %add3A_63 = arith.constant 320000 : i32
      %add3A_64 = arith.addi %add3A_63, %mul3A_2 : i32
      "tpu.region"() ({
        %run_scoped3A = tpu.sem_alloc : memref<!tpu.dma_semaphore, #tpu.memory_space<semaphore_mem>>
        %dma_start3A = tpu.memref_slice %arg3[%add3A_64] : memref<640000xi32, #tpu.memory_space<hbm>> -> memref<10240xi32, #tpu.memory_space<hbm>>
        %dma_start3A_65 = tpu.memref_slice %arg3[%add3A_64] : memref<640000xi32, #tpu.memory_space<hbm>> -> memref<10240xi32, #tpu.memory_space<hbm>>
        tpu.enqueue_dma source(%dma_start3A_65 : memref<10240xi32, #tpu.memory_space<hbm>>) target(%arg9 : memref<10240xi32, #tpu.memory_space<vmem>>) target_semaphore(%run_scoped3A : memref<!tpu.dma_semaphore, #tpu.memory_space<semaphore_mem>>)
        %dma_wait3A = tpu.memref_slice %arg3[%add3A_64] : memref<640000xi32, #tpu.memory_space<hbm>> -> memref<10240xi32, #tpu.memory_space<hbm>>
        %dma_wait3A_66 = tpu.memref_slice %arg3[%add3A_64] : memref<640000xi32, #tpu.memory_space<hbm>> -> memref<10240xi32, #tpu.memory_space<hbm>>
        tpu.wait_dma2 semaphore(%run_scoped3A : memref<!tpu.dma_semaphore, #tpu.memory_space<semaphore_mem>>) src(%dma_wait3A_66 : memref<10240xi32, #tpu.memory_space<hbm>>) dst(%arg9 : memref<10240xi32, #tpu.memory_space<vmem>>)
        tpu.yield
      }) : () -> ()
    } else {
    }
    %eq3A = arith.constant 31 : i32
    %eq3A_7 = arith.cmpi eq, %add3A, %eq3A : i32
    %convert_element_type3A_8 = arith.extui %eq3A_7 : i1 to i32
    %cond3A_9 = arith.constant 0 : i32
    %cond3A_10 = arith.cmpi ne, %convert_element_type3A_8, %cond3A_9 : i32
    scf.if %cond3A_10 {
      "tpu.region"() ({
        %run_scoped3A = tpu.sem_alloc : memref<!tpu.dma_semaphore, #tpu.memory_space<semaphore_mem>>
        %dma_start3A = tpu.memref_slice %arg3[%mul3A_2] : memref<640000xi32, #tpu.memory_space<hbm>> -> memref<10240xi32, #tpu.memory_space<hbm>>
        %dma_start3A_71 = tpu.memref_slice %arg3[%mul3A_2] : memref<640000xi32, #tpu.memory_space<hbm>> -> memref<10240xi32, #tpu.memory_space<hbm>>
        tpu.enqueue_dma source(%dma_start3A_71 : memref<10240xi32, #tpu.memory_space<hbm>>) target(%arg8 : memref<10240xi32, #tpu.memory_space<vmem>>) target_semaphore(%run_scoped3A : memref<!tpu.dma_semaphore, #tpu.memory_space<semaphore_mem>>)
        %dma_wait3A = tpu.memref_slice %arg3[%mul3A_2] : memref<640000xi32, #tpu.memory_space<hbm>> -> memref<10240xi32, #tpu.memory_space<hbm>>
        %dma_wait3A_72 = tpu.memref_slice %arg3[%mul3A_2] : memref<640000xi32, #tpu.memory_space<hbm>> -> memref<10240xi32, #tpu.memory_space<hbm>>
        tpu.wait_dma2 semaphore(%run_scoped3A : memref<!tpu.dma_semaphore, #tpu.memory_space<semaphore_mem>>) src(%dma_wait3A_72 : memref<10240xi32, #tpu.memory_space<hbm>>) dst(%arg8 : memref<10240xi32, #tpu.memory_space<vmem>>)
        tpu.yield
      }) : () -> ()
      %add3A_63 = arith.constant 320000 : i32
      %add3A_64 = arith.addi %add3A_63, %mul3A_2 : i32
      "tpu.region"() ({
        %run_scoped3A = tpu.sem_alloc : memref<!tpu.dma_semaphore, #tpu.memory_space<semaphore_mem>>
        %dma_start3A = arith.constant 0 : i32
        %dma_start3A_71 = tpu.memref_slice %arg9[%dma_start3A] : memref<10240xi32, #tpu.memory_space<vmem>> -> memref<2560xi32, #tpu.memory_space<vmem>>
        %dma_start3A_72 = tpu.memref_slice %arg3[%add3A_64] : memref<640000xi32, #tpu.memory_space<hbm>> -> memref<2560xi32, #tpu.memory_space<hbm>>
        %dma_start3A_73 = arith.constant 0 : i32
        %dma_start3A_74 = tpu.memref_slice %arg9[%dma_start3A_73] : memref<10240xi32, #tpu.memory_space<vmem>> -> memref<2560xi32, #tpu.memory_space<vmem>>
        %dma_start3A_75 = tpu.memref_slice %arg3[%add3A_64] : memref<640000xi32, #tpu.memory_space<hbm>> -> memref<2560xi32, #tpu.memory_space<hbm>>
        tpu.enqueue_dma source(%dma_start3A_75 : memref<2560xi32, #tpu.memory_space<hbm>>) target(%dma_start3A_74 : memref<2560xi32, #tpu.memory_space<vmem>>) target_semaphore(%run_scoped3A : memref<!tpu.dma_semaphore, #tpu.memory_space<semaphore_mem>>)
        %dma_wait3A = arith.constant 0 : i32
        %dma_wait3A_76 = tpu.memref_slice %arg9[%dma_wait3A] : memref<10240xi32, #tpu.memory_space<vmem>> -> memref<2560xi32, #tpu.memory_space<vmem>>
        %dma_wait3A_77 = tpu.memref_slice %arg3[%add3A_64] : memref<640000xi32, #tpu.memory_space<hbm>> -> memref<2560xi32, #tpu.memory_space<hbm>>
        %dma_wait3A_78 = arith.constant 0 : i32
        %dma_wait3A_79 = tpu.memref_slice %arg9[%dma_wait3A_78] : memref<10240xi32, #tpu.memory_space<vmem>> -> memref<2560xi32, #tpu.memory_space<vmem>>
        %dma_wait3A_80 = tpu.memref_slice %arg3[%add3A_64] : memref<640000xi32, #tpu.memory_space<hbm>> -> memref<2560xi32, #tpu.memory_space<hbm>>
        tpu.wait_dma2 semaphore(%run_scoped3A : memref<!tpu.dma_semaphore, #tpu.memory_space<semaphore_mem>>) src(%dma_wait3A_80 : memref<2560xi32, #tpu.memory_space<hbm>>) dst(%dma_wait3A_79 : memref<2560xi32, #tpu.memory_space<vmem>>)
        tpu.yield
      }) : () -> ()
      %scan3A_65 = arith.constant 0 : i32
      %scan3A_66 = arith.constant 0 : i32
      %scan3A_67 = arith.constant 480 : i32
      %scan3A_68 = arith.addi %scan3A_66, %scan3A_67 : i32
      %scan3A_69 = arith.constant 1 : i32
      scf.for %scan3A_71 = %scan3A_66 to %scan3A_68 step %scan3A_69  : i32 {
        %iota3A = tpu.iota {dimensions = array<i32: 0>} : vector<16xi32>
        %mul3A_72 = arith.constant 16 : i32
        %mul3A_73 = arith.muli %scan3A_71, %mul3A_72 : i32
        %jit3A = arith.constant 240 : i32
        %eq3A_74 = arith.constant 0 : i32
        %eq3A_75 = arith.cmpi eq, %jit3A, %eq3A_74 : i32
        %jit3A_76 = arith.constant 1 : i32
        %select_n3A = arith.select %eq3A_75, %jit3A_76, %jit3A : i32
        %rem3A = arith.remsi %mul3A_73, %select_n3A : i32
        %ne3A_77 = arith.constant 0 : i32
        %ne3A_78 = arith.cmpi ne, %rem3A, %ne3A_77 : i32
        %lt3A = arith.constant 0 : i32
        %lt3A_79 = arith.cmpi slt, %rem3A, %lt3A : i32
        %lt3A_80 = arith.constant 0 : i32
        %lt3A_81 = arith.cmpi slt, %select_n3A, %lt3A_80 : i32
        %ne3A_82 = arith.xori %lt3A_79, %lt3A_81 : i1
        %and3A = arith.andi %ne3A_82, %ne3A_78 : i1
        %add3A_83 = arith.addi %rem3A, %select_n3A : i32
        %select_n3A_84 = arith.select %and3A, %add3A_83, %rem3A : i32
        %add3A_85 = arith.constant 10000 : i32
        %add3A_86 = arith.addi %add3A_85, %select_n3A_84 : i32
        %add3A_87 = vector.broadcast %add3A_86 : i32 to vector<16xi32>
        %add3A_88 = arith.addi %add3A_87, %iota3A : vector<16xi32>
        %mul3A_89 = arith.constant 16 : i32
        %mul3A_90 = arith.muli %scan3A_71, %mul3A_89 : i32
        %add3A_91 = arith.constant 2560 : i32
        %add3A_92 = arith.addi %add3A_91, %mul3A_90 : i32
        %swap3A_93 = arith.index_cast %add3A_92 : i32 to index
        %swap3A_94 = tpu.vector_load %arg9[%swap3A_93] {strides = array<i32>} : memref<10240xi32, #tpu.memory_space<vmem>>, vector<16xi32>,
        %swap3A_95 = vector.shape_cast %swap3A_94 : vector<16xi32> to vector<16xi32>
        %swap3A_96 = vector.shape_cast %add3A_88 : vector<16xi32> to vector<16xi32>
        tpu.vector_store %arg9[%swap3A_93], %swap3A_96 {strides = array<i32>} : memref<10240xi32, #tpu.memory_space<vmem>>, vector<16xi32>,
      }
      %scan3A_70 = arith.constant 480 : i32
    } else {
    }
    "tpu.region"() ({
      %run_scoped3A = tpu.sem_alloc : memref<!tpu.dma_semaphore, #tpu.memory_space<semaphore_mem>>
      %dma_start3A = tpu.memref_slice %arg16[%mul3A_4] : memref<10240xf32, #tpu.memory_space<vmem_shared>> -> memref<640xf32, #tpu.memory_space<vmem_shared>>
      %dma_start3A_63 = tpu.memref_slice %arg5[%mul3A_4] : memref<10240xf32, #tpu.memory_space<hbm>> -> memref<640xf32, #tpu.memory_space<hbm>>
      tpu.enqueue_dma source(%dma_start3A_63 : memref<640xf32, #tpu.memory_space<hbm>>) target(%dma_start3A : memref<640xf32, #tpu.memory_space<vmem_shared>>) target_semaphore(%run_scoped3A : memref<!tpu.dma_semaphore, #tpu.memory_space<semaphore_mem>>)
      %dma_wait3A = tpu.memref_slice %arg16[%mul3A_4] : memref<10240xf32, #tpu.memory_space<vmem_shared>> -> memref<640xf32, #tpu.memory_space<vmem_shared>>
      %dma_wait3A_64 = tpu.memref_slice %arg5[%mul3A_4] : memref<10240xf32, #tpu.memory_space<hbm>> -> memref<640xf32, #tpu.memory_space<hbm>>
      tpu.wait_dma2 semaphore(%run_scoped3A : memref<!tpu.dma_semaphore, #tpu.memory_space<semaphore_mem>>) src(%dma_wait3A_64 : memref<640xf32, #tpu.memory_space<hbm>>) dst(%dma_wait3A : memref<640xf32, #tpu.memory_space<vmem_shared>>)
      tpu.yield
    }) : () -> ()
    %broadcast_in_dim3A = arith.constant 1.000000e+00 : f32
    %broadcast_in_dim3A_11 = vector.broadcast %broadcast_in_dim3A : f32 to vector<16xf32>
    %swap3A = arith.constant 0 : index
    %swap3A_12 = tpu.vector_load %arg15[%swap3A] {strides = array<i32>} : memref<128xf32, #tpu.memory_space<vmem>>, vector<16xf32>,
    %swap3A_13 = vector.shape_cast %swap3A_12 : vector<16xf32> to vector<16xf32>
    %swap3A_14 = vector.shape_cast %broadcast_in_dim3A_11 : vector<16xf32> to vector<16xf32>
    tpu.vector_store %arg15[%swap3A], %swap3A_14 {strides = array<i32>} : memref<128xf32, #tpu.memory_space<vmem>>, vector<16xf32>,
    %broadcast_in_dim3A_15 = arith.constant 1.000000e+00 : f32
    %broadcast_in_dim3A_16 = vector.broadcast %broadcast_in_dim3A_15 : f32 to vector<16xf32>
    %swap3A_17 = arith.constant 16 : index
    %swap3A_18 = tpu.vector_load %arg15[%swap3A_17] {strides = array<i32>} : memref<128xf32, #tpu.memory_space<vmem>>, vector<16xf32>,
    %swap3A_19 = vector.shape_cast %swap3A_18 : vector<16xf32> to vector<16xf32>
    %swap3A_20 = vector.shape_cast %broadcast_in_dim3A_16 : vector<16xf32> to vector<16xf32>
    tpu.vector_store %arg15[%swap3A_17], %swap3A_20 {strides = array<i32>} : memref<128xf32, #tpu.memory_space<vmem>>, vector<16xf32>,
    %broadcast_in_dim3A_21 = arith.constant 1.000000e+00 : f32
    %broadcast_in_dim3A_22 = vector.broadcast %broadcast_in_dim3A_21 : f32 to vector<16xf32>
    %swap3A_23 = arith.constant 32 : index
    %swap3A_24 = tpu.vector_load %arg15[%swap3A_23] {strides = array<i32>} : memref<128xf32, #tpu.memory_space<vmem>>, vector<16xf32>,
    %swap3A_25 = vector.shape_cast %swap3A_24 : vector<16xf32> to vector<16xf32>
    %swap3A_26 = vector.shape_cast %broadcast_in_dim3A_22 : vector<16xf32> to vector<16xf32>
    tpu.vector_store %arg15[%swap3A_23], %swap3A_26 {strides = array<i32>} : memref<128xf32, #tpu.memory_space<vmem>>, vector<16xf32>,
    %broadcast_in_dim3A_27 = arith.constant 1.000000e+00 : f32
    %broadcast_in_dim3A_28 = vector.broadcast %broadcast_in_dim3A_27 : f32 to vector<16xf32>
    %swap3A_29 = arith.constant 48 : index
    %swap3A_30 = tpu.vector_load %arg15[%swap3A_29] {strides = array<i32>} : memref<128xf32, #tpu.memory_space<vmem>>, vector<16xf32>,
    %swap3A_31 = vector.shape_cast %swap3A_30 : vector<16xf32> to vector<16xf32>
    %swap3A_32 = vector.shape_cast %broadcast_in_dim3A_28 : vector<16xf32> to vector<16xf32>
    tpu.vector_store %arg15[%swap3A_29], %swap3A_32 {strides = array<i32>} : memref<128xf32, #tpu.memory_space<vmem>>, vector<16xf32>,
    %broadcast_in_dim3A_33 = arith.constant 1.000000e+00 : f32
    %broadcast_in_dim3A_34 = vector.broadcast %broadcast_in_dim3A_33 : f32 to vector<16xf32>
    %swap3A_35 = arith.constant 64 : index
    %swap3A_36 = tpu.vector_load %arg15[%swap3A_35] {strides = array<i32>} : memref<128xf32, #tpu.memory_space<vmem>>, vector<16xf32>,
    %swap3A_37 = vector.shape_cast %swap3A_36 : vector<16xf32> to vector<16xf32>
    %swap3A_38 = vector.shape_cast %broadcast_in_dim3A_34 : vector<16xf32> to vector<16xf32>
    tpu.vector_store %arg15[%swap3A_35], %swap3A_38 {strides = array<i32>} : memref<128xf32, #tpu.memory_space<vmem>>, vector<16xf32>,
    %broadcast_in_dim3A_39 = arith.constant 1.000000e+00 : f32
    %broadcast_in_dim3A_40 = vector.broadcast %broadcast_in_dim3A_39 : f32 to vector<16xf32>
    %swap3A_41 = arith.constant 80 : index
    %swap3A_42 = tpu.vector_load %arg15[%swap3A_41] {strides = array<i32>} : memref<128xf32, #tpu.memory_space<vmem>>, vector<16xf32>,
    %swap3A_43 = vector.shape_cast %swap3A_42 : vector<16xf32> to vector<16xf32>
    %swap3A_44 = vector.shape_cast %broadcast_in_dim3A_40 : vector<16xf32> to vector<16xf32>
    tpu.vector_store %arg15[%swap3A_41], %swap3A_44 {strides = array<i32>} : memref<128xf32, #tpu.memory_space<vmem>>, vector<16xf32>,
    %broadcast_in_dim3A_45 = arith.constant 1.000000e+00 : f32
    %broadcast_in_dim3A_46 = vector.broadcast %broadcast_in_dim3A_45 : f32 to vector<16xf32>
    %swap3A_47 = arith.constant 96 : index
    %swap3A_48 = tpu.vector_load %arg15[%swap3A_47] {strides = array<i32>} : memref<128xf32, #tpu.memory_space<vmem>>, vector<16xf32>,
    %swap3A_49 = vector.shape_cast %swap3A_48 : vector<16xf32> to vector<16xf32>
    %swap3A_50 = vector.shape_cast %broadcast_in_dim3A_46 : vector<16xf32> to vector<16xf32>
    tpu.vector_store %arg15[%swap3A_47], %swap3A_50 {strides = array<i32>} : memref<128xf32, #tpu.memory_space<vmem>>, vector<16xf32>,
    %broadcast_in_dim3A_51 = arith.constant 1.000000e+00 : f32
    %broadcast_in_dim3A_52 = vector.broadcast %broadcast_in_dim3A_51 : f32 to vector<16xf32>
    %swap3A_53 = arith.constant 112 : index
    %swap3A_54 = tpu.vector_load %arg15[%swap3A_53] {strides = array<i32>} : memref<128xf32, #tpu.memory_space<vmem>>, vector<16xf32>,
    %swap3A_55 = vector.shape_cast %swap3A_54 : vector<16xf32> to vector<16xf32>
    %swap3A_56 = vector.shape_cast %broadcast_in_dim3A_52 : vector<16xf32> to vector<16xf32>
    tpu.vector_store %arg15[%swap3A_53], %swap3A_56 {strides = array<i32>} : memref<128xf32, #tpu.memory_space<vmem>>, vector<16xf32>,
    %barrier3A = arith.constant 0 : index
    tpu.barrier barrier_id(%barrier3A)
    %scan3A = arith.constant 0 : i32
    %scan3A_57 = arith.constant 0 : i32
    %scan3A_58 = arith.constant 16 : i32
    %scan3A_59 = arith.addi %scan3A_57, %scan3A_58 : i32
    %scan3A_60 = arith.constant 1 : i32
    scf.for %scan3A_63 = %scan3A_57 to %scan3A_59 step %scan3A_60  : i32 {
      %mul3A_64 = arith.constant 640 : i32
      %mul3A_65 = arith.muli %scan3A_63, %mul3A_64 : i32
      %add3A_66 = arith.constant 0 : i32
      %add3A_67 = arith.addi %mul3A_65, %add3A_66 : i32
      %dma_start3A = arith.constant 0 : i32
      %dma_start3A_68 = arith.constant 0 : i32
      %dma_start3A_69 = arith.constant 0 : i32
      %dma_start3A_70 = tpu.memref_slice %arg10[%dma_start3A, %dma_start3A_68, %dma_start3A_69] : memref<5x128x32xf32, #tpu.memory_space<vmem>> -> memref<1x128x32xf32, #tpu.memory_space<vmem>>
      %dma_start3A_71 = tpu.memref_squeeze %dma_start3A_70 : memref<1x128x32xf32, #tpu.memory_space<vmem>> -> memref<128x32xf32, #tpu.memory_space<vmem>>
      %dma_start3A_72 = tpu.memref_slice %arg8[%add3A_67] : memref<10240xi32, #tpu.memory_space<vmem>> -> memref<128xi32, #tpu.memory_space<vmem>>
      %dma_start3A_73 = arith.constant 0 : i32
      %dma_start3A_74 = arith.constant 0 : i32
      %dma_start3A_75 = tpu.memref_slice %arg12[%dma_start3A_73, %dma_start3A_74] : memref<10240x32xf32, #tpu.memory_space<vmem_shared>> -> memref<10240x32xf32, #tpu.memory_space<vmem_shared>>
      tpu.enqueue_indirect_dma source(%dma_start3A_75 : memref<10240x32xf32, #tpu.memory_space<vmem_shared>>) target(%dma_start3A_71 : memref<128x32xf32, #tpu.memory_space<vmem>>) offsets(%dma_start3A_72 : memref<128xi32, #tpu.memory_space<vmem>>) semaphore(%arg13 : memref<!tpu.dma_semaphore, #tpu.memory_space<semaphore_mem>>)
      %add3A_76 = arith.constant 128 : i32
      %add3A_77 = arith.addi %mul3A_65, %add3A_76 : i32
      %dma_start3A_78 = arith.constant 1 : i32
      %dma_start3A_79 = arith.constant 0 : i32
      %dma_start3A_80 = arith.constant 0 : i32
      %dma_start3A_81 = tpu.memref_slice %arg10[%dma_start3A_78, %dma_start3A_79, %dma_start3A_80] : memref<5x128x32xf32, #tpu.memory_space<vmem>> -> memref<1x128x32xf32, #tpu.memory_space<vmem>>
      %dma_start3A_82 = tpu.memref_squeeze %dma_start3A_81 : memref<1x128x32xf32, #tpu.memory_space<vmem>> -> memref<128x32xf32, #tpu.memory_space<vmem>>
      %dma_start3A_83 = tpu.memref_slice %arg8[%add3A_77] : memref<10240xi32, #tpu.memory_space<vmem>> -> memref<128xi32, #tpu.memory_space<vmem>>
      %dma_start3A_84 = arith.constant 0 : i32
      %dma_start3A_85 = arith.constant 0 : i32
      %dma_start3A_86 = tpu.memref_slice %arg12[%dma_start3A_84, %dma_start3A_85] : memref<10240x32xf32, #tpu.memory_space<vmem_shared>> -> memref<10240x32xf32, #tpu.memory_space<vmem_shared>>
      tpu.enqueue_indirect_dma source(%dma_start3A_86 : memref<10240x32xf32, #tpu.memory_space<vmem_shared>>) target(%dma_start3A_82 : memref<128x32xf32, #tpu.memory_space<vmem>>) offsets(%dma_start3A_83 : memref<128xi32, #tpu.memory_space<vmem>>) semaphore(%arg13 : memref<!tpu.dma_semaphore, #tpu.memory_space<semaphore_mem>>)
      %add3A_87 = arith.constant 256 : i32
      %add3A_88 = arith.addi %mul3A_65, %add3A_87 : i32
      %dma_start3A_89 = arith.constant 2 : i32
      %dma_start3A_90 = arith.constant 0 : i32
      %dma_start3A_91 = arith.constant 0 : i32
      %dma_start3A_92 = tpu.memref_slice %arg10[%dma_start3A_89, %dma_start3A_90, %dma_start3A_91] : memref<5x128x32xf32, #tpu.memory_space<vmem>> -> memref<1x128x32xf32, #tpu.memory_space<vmem>>
      %dma_start3A_93 = tpu.memref_squeeze %dma_start3A_92 : memref<1x128x32xf32, #tpu.memory_space<vmem>> -> memref<128x32xf32, #tpu.memory_space<vmem>>
      %dma_start3A_94 = tpu.memref_slice %arg8[%add3A_88] : memref<10240xi32, #tpu.memory_space<vmem>> -> memref<128xi32, #tpu.memory_space<vmem>>
      %dma_start3A_95 = arith.constant 0 : i32
      %dma_start3A_96 = arith.constant 0 : i32
      %dma_start3A_97 = tpu.memref_slice %arg12[%dma_start3A_95, %dma_start3A_96] : memref<10240x32xf32, #tpu.memory_space<vmem_shared>> -> memref<10240x32xf32, #tpu.memory_space<vmem_shared>>
      tpu.enqueue_indirect_dma source(%dma_start3A_97 : memref<10240x32xf32, #tpu.memory_space<vmem_shared>>) target(%dma_start3A_93 : memref<128x32xf32, #tpu.memory_space<vmem>>) offsets(%dma_start3A_94 : memref<128xi32, #tpu.memory_space<vmem>>) semaphore(%arg13 : memref<!tpu.dma_semaphore, #tpu.memory_space<semaphore_mem>>)
      %add3A_98 = arith.constant 384 : i32
      %add3A_99 = arith.addi %mul3A_65, %add3A_98 : i32
      %dma_start3A_100 = arith.constant 3 : i32
      %dma_start3A_101 = arith.constant 0 : i32
      %dma_start3A_102 = arith.constant 0 : i32
      %dma_start3A_103 = tpu.memref_slice %arg10[%dma_start3A_100, %dma_start3A_101, %dma_start3A_102] : memref<5x128x32xf32, #tpu.memory_space<vmem>> -> memref<1x128x32xf32, #tpu.memory_space<vmem>>
      %dma_start3A_104 = tpu.memref_squeeze %dma_start3A_103 : memref<1x128x32xf32, #tpu.memory_space<vmem>> -> memref<128x32xf32, #tpu.memory_space<vmem>>
      %dma_start3A_105 = tpu.memref_slice %arg8[%add3A_99] : memref<10240xi32, #tpu.memory_space<vmem>> -> memref<128xi32, #tpu.memory_space<vmem>>
      %dma_start3A_106 = arith.constant 0 : i32
      %dma_start3A_107 = arith.constant 0 : i32
      %dma_start3A_108 = tpu.memref_slice %arg12[%dma_start3A_106, %dma_start3A_107] : memref<10240x32xf32, #tpu.memory_space<vmem_shared>> -> memref<10240x32xf32, #tpu.memory_space<vmem_shared>>
      tpu.enqueue_indirect_dma source(%dma_start3A_108 : memref<10240x32xf32, #tpu.memory_space<vmem_shared>>) target(%dma_start3A_104 : memref<128x32xf32, #tpu.memory_space<vmem>>) offsets(%dma_start3A_105 : memref<128xi32, #tpu.memory_space<vmem>>) semaphore(%arg13 : memref<!tpu.dma_semaphore, #tpu.memory_space<semaphore_mem>>)
      %add3A_109 = arith.constant 512 : i32
      %add3A_110 = arith.addi %mul3A_65, %add3A_109 : i32
      %dma_start3A_111 = arith.constant 4 : i32
      %dma_start3A_112 = arith.constant 0 : i32
      %dma_start3A_113 = arith.constant 0 : i32
      %dma_start3A_114 = tpu.memref_slice %arg10[%dma_start3A_111, %dma_start3A_112, %dma_start3A_113] : memref<5x128x32xf32, #tpu.memory_space<vmem>> -> memref<1x128x32xf32, #tpu.memory_space<vmem>>
      %dma_start3A_115 = tpu.memref_squeeze %dma_start3A_114 : memref<1x128x32xf32, #tpu.memory_space<vmem>> -> memref<128x32xf32, #tpu.memory_space<vmem>>
      %dma_start3A_116 = tpu.memref_slice %arg8[%add3A_110] : memref<10240xi32, #tpu.memory_space<vmem>> -> memref<128xi32, #tpu.memory_space<vmem>>
      %dma_start3A_117 = arith.constant 0 : i32
      %dma_start3A_118 = arith.constant 0 : i32
      %dma_start3A_119 = tpu.memref_slice %arg12[%dma_start3A_117, %dma_start3A_118] : memref<10240x32xf32, #tpu.memory_space<vmem_shared>> -> memref<10240x32xf32, #tpu.memory_space<vmem_shared>>
      tpu.enqueue_indirect_dma source(%dma_start3A_119 : memref<10240x32xf32, #tpu.memory_space<vmem_shared>>) target(%dma_start3A_115 : memref<128x32xf32, #tpu.memory_space<vmem>>) offsets(%dma_start3A_116 : memref<128xi32, #tpu.memory_space<vmem>>) semaphore(%arg13 : memref<!tpu.dma_semaphore, #tpu.memory_space<semaphore_mem>>)
      %dma_wait3A = arith.constant 0 : i32
      %dma_wait3A_120 = arith.constant 0 : i32
      %dma_wait3A_121 = arith.constant 0 : i32
      %dma_wait3A_122 = tpu.memref_slice %arg10[%dma_wait3A, %dma_wait3A_120, %dma_wait3A_121] : memref<5x128x32xf32, #tpu.memory_space<vmem>> -> memref<1x128x32xf32, #tpu.memory_space<vmem>>
      %dma_wait3A_123 = tpu.memref_squeeze %dma_wait3A_122 : memref<1x128x32xf32, #tpu.memory_space<vmem>> -> memref<128x32xf32, #tpu.memory_space<vmem>>
      %dma_wait3A_124 = tpu.memref_slice %arg8[%add3A_67] : memref<10240xi32, #tpu.memory_space<vmem>> -> memref<128xi32, #tpu.memory_space<vmem>>
      %dma_wait3A_125 = arith.constant 0 : i32
      %dma_wait3A_126 = arith.constant 0 : i32
      %dma_wait3A_127 = tpu.memref_slice %arg12[%dma_wait3A_125, %dma_wait3A_126] : memref<10240x32xf32, #tpu.memory_space<vmem_shared>> -> memref<10240x32xf32, #tpu.memory_space<vmem_shared>>
      tpu.wait_indirect_dma semaphore(%arg13 : memref<!tpu.dma_semaphore, #tpu.memory_space<semaphore_mem>>) src(%dma_wait3A_127 : memref<10240x32xf32, #tpu.memory_space<vmem_shared>>) dst(%dma_wait3A_123 : memref<128x32xf32, #tpu.memory_space<vmem>>)
      %dma_wait3A_128 = arith.constant 1 : i32
      %dma_wait3A_129 = arith.constant 0 : i32
      %dma_wait3A_130 = arith.constant 0 : i32
      %dma_wait3A_131 = tpu.memref_slice %arg10[%dma_wait3A_128, %dma_wait3A_129, %dma_wait3A_130] : memref<5x128x32xf32, #tpu.memory_space<vmem>> -> memref<1x128x32xf32, #tpu.memory_space<vmem>>
      %dma_wait3A_132 = tpu.memref_squeeze %dma_wait3A_131 : memref<1x128x32xf32, #tpu.memory_space<vmem>> -> memref<128x32xf32, #tpu.memory_space<vmem>>
      %dma_wait3A_133 = tpu.memref_slice %arg8[%add3A_77] : memref<10240xi32, #tpu.memory_space<vmem>> -> memref<128xi32, #tpu.memory_space<vmem>>
      %dma_wait3A_134 = arith.constant 0 : i32
      %dma_wait3A_135 = arith.constant 0 : i32
      %dma_wait3A_136 = tpu.memref_slice %arg12[%dma_wait3A_134, %dma_wait3A_135] : memref<10240x32xf32, #tpu.memory_space<vmem_shared>> -> memref<10240x32xf32, #tpu.memory_space<vmem_shared>>
      tpu.wait_indirect_dma semaphore(%arg13 : memref<!tpu.dma_semaphore, #tpu.memory_space<semaphore_mem>>) src(%dma_wait3A_136 : memref<10240x32xf32, #tpu.memory_space<vmem_shared>>) dst(%dma_wait3A_132 : memref<128x32xf32, #tpu.memory_space<vmem>>)
      %dma_wait3A_137 = arith.constant 2 : i32
      %dma_wait3A_138 = arith.constant 0 : i32
      %dma_wait3A_139 = arith.constant 0 : i32
      %dma_wait3A_140 = tpu.memref_slice %arg10[%dma_wait3A_137, %dma_wait3A_138, %dma_wait3A_139] : memref<5x128x32xf32, #tpu.memory_space<vmem>> -> memref<1x128x32xf32, #tpu.memory_space<vmem>>
      %dma_wait3A_141 = tpu.memref_squeeze %dma_wait3A_140 : memref<1x128x32xf32, #tpu.memory_space<vmem>> -> memref<128x32xf32, #tpu.memory_space<vmem>>
      %dma_wait3A_142 = tpu.memref_slice %arg8[%add3A_88] : memref<10240xi32, #tpu.memory_space<vmem>> -> memref<128xi32, #tpu.memory_space<vmem>>
      %dma_wait3A_143 = arith.constant 0 : i32
      %dma_wait3A_144 = arith.constant 0 : i32
      %dma_wait3A_145 = tpu.memref_slice %arg12[%dma_wait3A_143, %dma_wait3A_144] : memref<10240x32xf32, #tpu.memory_space<vmem_shared>> -> memref<10240x32xf32, #tpu.memory_space<vmem_shared>>
      tpu.wait_indirect_dma semaphore(%arg13 : memref<!tpu.dma_semaphore, #tpu.memory_space<semaphore_mem>>) src(%dma_wait3A_145 : memref<10240x32xf32, #tpu.memory_space<vmem_shared>>) dst(%dma_wait3A_141 : memref<128x32xf32, #tpu.memory_space<vmem>>)
      %dma_wait3A_146 = arith.constant 3 : i32
      %dma_wait3A_147 = arith.constant 0 : i32
      %dma_wait3A_148 = arith.constant 0 : i32
      %dma_wait3A_149 = tpu.memref_slice %arg10[%dma_wait3A_146, %dma_wait3A_147, %dma_wait3A_148] : memref<5x128x32xf32, #tpu.memory_space<vmem>> -> memref<1x128x32xf32, #tpu.memory_space<vmem>>
      %dma_wait3A_150 = tpu.memref_squeeze %dma_wait3A_149 : memref<1x128x32xf32, #tpu.memory_space<vmem>> -> memref<128x32xf32, #tpu.memory_space<vmem>>
      %dma_wait3A_151 = tpu.memref_slice %arg8[%add3A_99] : memref<10240xi32, #tpu.memory_space<vmem>> -> memref<128xi32, #tpu.memory_space<vmem>>
      %dma_wait3A_152 = arith.constant 0 : i32
      %dma_wait3A_153 = arith.constant 0 : i32
      %dma_wait3A_154 = tpu.memref_slice %arg12[%dma_wait3A_152, %dma_wait3A_153] : memref<10240x32xf32, #tpu.memory_space<vmem_shared>> -> memref<10240x32xf32, #tpu.memory_space<vmem_shared>>
      tpu.wait_indirect_dma semaphore(%arg13 : memref<!tpu.dma_semaphore, #tpu.memory_space<semaphore_mem>>) src(%dma_wait3A_154 : memref<10240x32xf32, #tpu.memory_space<vmem_shared>>) dst(%dma_wait3A_150 : memref<128x32xf32, #tpu.memory_space<vmem>>)
      %dma_wait3A_155 = arith.constant 4 : i32
      %dma_wait3A_156 = arith.constant 0 : i32
      %dma_wait3A_157 = arith.constant 0 : i32
      %dma_wait3A_158 = tpu.memref_slice %arg10[%dma_wait3A_155, %dma_wait3A_156, %dma_wait3A_157] : memref<5x128x32xf32, #tpu.memory_space<vmem>> -> memref<1x128x32xf32, #tpu.memory_space<vmem>>
      %dma_wait3A_159 = tpu.memref_squeeze %dma_wait3A_158 : memref<1x128x32xf32, #tpu.memory_space<vmem>> -> memref<128x32xf32, #tpu.memory_space<vmem>>
      %dma_wait3A_160 = tpu.memref_slice %arg8[%add3A_110] : memref<10240xi32, #tpu.memory_space<vmem>> -> memref<128xi32, #tpu.memory_space<vmem>>
      %dma_wait3A_161 = arith.constant 0 : i32
      %dma_wait3A_162 = arith.constant 0 : i32
      %dma_wait3A_163 = tpu.memref_slice %arg12[%dma_wait3A_161, %dma_wait3A_162] : memref<10240x32xf32, #tpu.memory_space<vmem_shared>> -> memref<10240x32xf32, #tpu.memory_space<vmem_shared>>
      tpu.wait_indirect_dma semaphore(%arg13 : memref<!tpu.dma_semaphore, #tpu.memory_space<semaphore_mem>>) src(%dma_wait3A_163 : memref<10240x32xf32, #tpu.memory_space<vmem_shared>>) dst(%dma_wait3A_159 : memref<128x32xf32, #tpu.memory_space<vmem>>)
      %add3A_164 = arith.constant 0 : i32
      %add3A_165 = arith.addi %mul3A_65, %add3A_164 : i32
      %dma_start3A_166 = arith.constant 0 : i32
      %dma_start3A_167 = arith.constant 0 : i32
      %dma_start3A_168 = arith.constant 0 : i32
      %dma_start3A_169 = tpu.memref_slice %arg10[%dma_start3A_166, %dma_start3A_167, %dma_start3A_168] : memref<5x128x32xf32, #tpu.memory_space<vmem>> -> memref<1x128x32xf32, #tpu.memory_space<vmem>>
      %dma_start3A_170 = tpu.memref_squeeze %dma_start3A_169 : memref<1x128x32xf32, #tpu.memory_space<vmem>> -> memref<128x32xf32, #tpu.memory_space<vmem>>
      %dma_start3A_171 = tpu.memref_slice %arg9[%add3A_165] : memref<10240xi32, #tpu.memory_space<vmem>> -> memref<128xi32, #tpu.memory_space<vmem>>
      %dma_start3A_172 = arith.constant 0 : i32
      %dma_start3A_173 = arith.constant 0 : i32
      %dma_start3A_174 = tpu.memref_slice %arg11[%dma_start3A_172, %dma_start3A_173] : memref<10240x32xf32, #tpu.memory_space<vmem_shared>> -> memref<10240x32xf32, #tpu.memory_space<vmem_shared>>
      tpu.enqueue_indirect_dma source(%dma_start3A_170 : memref<128x32xf32, #tpu.memory_space<vmem>>) target(%dma_start3A_174 : memref<10240x32xf32, #tpu.memory_space<vmem_shared>>) offsets(%dma_start3A_171 : memref<128xi32, #tpu.memory_space<vmem>>) semaphore(%arg14 : memref<!tpu.dma_semaphore, #tpu.memory_space<semaphore_mem>>) {add = true}
      %dma_start3A_175 = tpu.memref_slice %arg9[%add3A_165] : memref<10240xi32, #tpu.memory_space<vmem>> -> memref<128xi32, #tpu.memory_space<vmem>>
      %dma_start3A_176 = arith.constant 0 : i32
      %dma_start3A_177 = tpu.memref_slice %arg16[%dma_start3A_176] : memref<10240xf32, #tpu.memory_space<vmem_shared>> -> memref<10240xf32, #tpu.memory_space<vmem_shared>>
      tpu.enqueue_indirect_dma source(%arg15 : memref<128xf32, #tpu.memory_space<vmem>>) target(%dma_start3A_177 : memref<10240xf32, #tpu.memory_space<vmem_shared>>) offsets(%dma_start3A_175 : memref<128xi32, #tpu.memory_space<vmem>>) semaphore(%arg14 : memref<!tpu.dma_semaphore, #tpu.memory_space<semaphore_mem>>) {add = true}
      %add3A_178 = arith.constant 128 : i32
      %add3A_179 = arith.addi %mul3A_65, %add3A_178 : i32
      %dma_start3A_180 = arith.constant 1 : i32
      %dma_start3A_181 = arith.constant 0 : i32
      %dma_start3A_182 = arith.constant 0 : i32
      %dma_start3A_183 = tpu.memref_slice %arg10[%dma_start3A_180, %dma_start3A_181, %dma_start3A_182] : memref<5x128x32xf32, #tpu.memory_space<vmem>> -> memref<1x128x32xf32, #tpu.memory_space<vmem>>
      %dma_start3A_184 = tpu.memref_squeeze %dma_start3A_183 : memref<1x128x32xf32, #tpu.memory_space<vmem>> -> memref<128x32xf32, #tpu.memory_space<vmem>>
      %dma_start3A_185 = tpu.memref_slice %arg9[%add3A_179] : memref<10240xi32, #tpu.memory_space<vmem>> -> memref<128xi32, #tpu.memory_space<vmem>>
      %dma_start3A_186 = arith.constant 0 : i32
      %dma_start3A_187 = arith.constant 0 : i32
      %dma_start3A_188 = tpu.memref_slice %arg11[%dma_start3A_186, %dma_start3A_187] : memref<10240x32xf32, #tpu.memory_space<vmem_shared>> -> memref<10240x32xf32, #tpu.memory_space<vmem_shared>>
      tpu.enqueue_indirect_dma source(%dma_start3A_184 : memref<128x32xf32, #tpu.memory_space<vmem>>) target(%dma_start3A_188 : memref<10240x32xf32, #tpu.memory_space<vmem_shared>>) offsets(%dma_start3A_185 : memref<128xi32, #tpu.memory_space<vmem>>) semaphore(%arg14 : memref<!tpu.dma_semaphore, #tpu.memory_space<semaphore_mem>>) {add = true}
      %dma_start3A_189 = tpu.memref_slice %arg9[%add3A_179] : memref<10240xi32, #tpu.memory_space<vmem>> -> memref<128xi32, #tpu.memory_space<vmem>>
      %dma_start3A_190 = arith.constant 0 : i32
      %dma_start3A_191 = tpu.memref_slice %arg16[%dma_start3A_190] : memref<10240xf32, #tpu.memory_space<vmem_shared>> -> memref<10240xf32, #tpu.memory_space<vmem_shared>>
      tpu.enqueue_indirect_dma source(%arg15 : memref<128xf32, #tpu.memory_space<vmem>>) target(%dma_start3A_191 : memref<10240xf32, #tpu.memory_space<vmem_shared>>) offsets(%dma_start3A_189 : memref<128xi32, #tpu.memory_space<vmem>>) semaphore(%arg14 : memref<!tpu.dma_semaphore, #tpu.memory_space<semaphore_mem>>) {add = true}
      %add3A_192 = arith.constant 256 : i32
      %add3A_193 = arith.addi %mul3A_65, %add3A_192 : i32
      %dma_start3A_194 = arith.constant 2 : i32
      %dma_start3A_195 = arith.constant 0 : i32
      %dma_start3A_196 = arith.constant 0 : i32
      %dma_start3A_197 = tpu.memref_slice %arg10[%dma_start3A_194, %dma_start3A_195, %dma_start3A_196] : memref<5x128x32xf32, #tpu.memory_space<vmem>> -> memref<1x128x32xf32, #tpu.memory_space<vmem>>
      %dma_start3A_198 = tpu.memref_squeeze %dma_start3A_197 : memref<1x128x32xf32, #tpu.memory_space<vmem>> -> memref<128x32xf32, #tpu.memory_space<vmem>>
      %dma_start3A_199 = tpu.memref_slice %arg9[%add3A_193] : memref<10240xi32, #tpu.memory_space<vmem>> -> memref<128xi32, #tpu.memory_space<vmem>>
      %dma_start3A_200 = arith.constant 0 : i32
      %dma_start3A_201 = arith.constant 0 : i32
      %dma_start3A_202 = tpu.memref_slice %arg11[%dma_start3A_200, %dma_start3A_201] : memref<10240x32xf32, #tpu.memory_space<vmem_shared>> -> memref<10240x32xf32, #tpu.memory_space<vmem_shared>>
      tpu.enqueue_indirect_dma source(%dma_start3A_198 : memref<128x32xf32, #tpu.memory_space<vmem>>) target(%dma_start3A_202 : memref<10240x32xf32, #tpu.memory_space<vmem_shared>>) offsets(%dma_start3A_199 : memref<128xi32, #tpu.memory_space<vmem>>) semaphore(%arg14 : memref<!tpu.dma_semaphore, #tpu.memory_space<semaphore_mem>>) {add = true}
      %dma_start3A_203 = tpu.memref_slice %arg9[%add3A_193] : memref<10240xi32, #tpu.memory_space<vmem>> -> memref<128xi32, #tpu.memory_space<vmem>>
      %dma_start3A_204 = arith.constant 0 : i32
      %dma_start3A_205 = tpu.memref_slice %arg16[%dma_start3A_204] : memref<10240xf32, #tpu.memory_space<vmem_shared>> -> memref<10240xf32, #tpu.memory_space<vmem_shared>>
      tpu.enqueue_indirect_dma source(%arg15 : memref<128xf32, #tpu.memory_space<vmem>>) target(%dma_start3A_205 : memref<10240xf32, #tpu.memory_space<vmem_shared>>) offsets(%dma_start3A_203 : memref<128xi32, #tpu.memory_space<vmem>>) semaphore(%arg14 : memref<!tpu.dma_semaphore, #tpu.memory_space<semaphore_mem>>) {add = true}
      %add3A_206 = arith.constant 384 : i32
      %add3A_207 = arith.addi %mul3A_65, %add3A_206 : i32
      %dma_start3A_208 = arith.constant 3 : i32
      %dma_start3A_209 = arith.constant 0 : i32
      %dma_start3A_210 = arith.constant 0 : i32
      %dma_start3A_211 = tpu.memref_slice %arg10[%dma_start3A_208, %dma_start3A_209, %dma_start3A_210] : memref<5x128x32xf32, #tpu.memory_space<vmem>> -> memref<1x128x32xf32, #tpu.memory_space<vmem>>
      %dma_start3A_212 = tpu.memref_squeeze %dma_start3A_211 : memref<1x128x32xf32, #tpu.memory_space<vmem>> -> memref<128x32xf32, #tpu.memory_space<vmem>>
      %dma_start3A_213 = tpu.memref_slice %arg9[%add3A_207] : memref<10240xi32, #tpu.memory_space<vmem>> -> memref<128xi32, #tpu.memory_space<vmem>>
      %dma_start3A_214 = arith.constant 0 : i32
      %dma_start3A_215 = arith.constant 0 : i32
      %dma_start3A_216 = tpu.memref_slice %arg11[%dma_start3A_214, %dma_start3A_215] : memref<10240x32xf32, #tpu.memory_space<vmem_shared>> -> memref<10240x32xf32, #tpu.memory_space<vmem_shared>>
      tpu.enqueue_indirect_dma source(%dma_start3A_212 : memref<128x32xf32, #tpu.memory_space<vmem>>) target(%dma_start3A_216 : memref<10240x32xf32, #tpu.memory_space<vmem_shared>>) offsets(%dma_start3A_213 : memref<128xi32, #tpu.memory_space<vmem>>) semaphore(%arg14 : memref<!tpu.dma_semaphore, #tpu.memory_space<semaphore_mem>>) {add = true}
      %dma_start3A_217 = tpu.memref_slice %arg9[%add3A_207] : memref<10240xi32, #tpu.memory_space<vmem>> -> memref<128xi32, #tpu.memory_space<vmem>>
      %dma_start3A_218 = arith.constant 0 : i32
      %dma_start3A_219 = tpu.memref_slice %arg16[%dma_start3A_218] : memref<10240xf32, #tpu.memory_space<vmem_shared>> -> memref<10240xf32, #tpu.memory_space<vmem_shared>>
      tpu.enqueue_indirect_dma source(%arg15 : memref<128xf32, #tpu.memory_space<vmem>>) target(%dma_start3A_219 : memref<10240xf32, #tpu.memory_space<vmem_shared>>) offsets(%dma_start3A_217 : memref<128xi32, #tpu.memory_space<vmem>>) semaphore(%arg14 : memref<!tpu.dma_semaphore, #tpu.memory_space<semaphore_mem>>) {add = true}
      %add3A_220 = arith.constant 512 : i32
      %add3A_221 = arith.addi %mul3A_65, %add3A_220 : i32
      %dma_start3A_222 = arith.constant 4 : i32
      %dma_start3A_223 = arith.constant 0 : i32
      %dma_start3A_224 = arith.constant 0 : i32
      %dma_start3A_225 = tpu.memref_slice %arg10[%dma_start3A_222, %dma_start3A_223, %dma_start3A_224] : memref<5x128x32xf32, #tpu.memory_space<vmem>> -> memref<1x128x32xf32, #tpu.memory_space<vmem>>
      %dma_start3A_226 = tpu.memref_squeeze %dma_start3A_225 : memref<1x128x32xf32, #tpu.memory_space<vmem>> -> memref<128x32xf32, #tpu.memory_space<vmem>>
      %dma_start3A_227 = tpu.memref_slice %arg9[%add3A_221] : memref<10240xi32, #tpu.memory_space<vmem>> -> memref<128xi32, #tpu.memory_space<vmem>>
      %dma_start3A_228 = arith.constant 0 : i32
      %dma_start3A_229 = arith.constant 0 : i32
      %dma_start3A_230 = tpu.memref_slice %arg11[%dma_start3A_228, %dma_start3A_229] : memref<10240x32xf32, #tpu.memory_space<vmem_shared>> -> memref<10240x32xf32, #tpu.memory_space<vmem_shared>>
      tpu.enqueue_indirect_dma source(%dma_start3A_226 : memref<128x32xf32, #tpu.memory_space<vmem>>) target(%dma_start3A_230 : memref<10240x32xf32, #tpu.memory_space<vmem_shared>>) offsets(%dma_start3A_227 : memref<128xi32, #tpu.memory_space<vmem>>) semaphore(%arg14 : memref<!tpu.dma_semaphore, #tpu.memory_space<semaphore_mem>>) {add = true}
      %dma_start3A_231 = tpu.memref_slice %arg9[%add3A_221] : memref<10240xi32, #tpu.memory_space<vmem>> -> memref<128xi32, #tpu.memory_space<vmem>>
      %dma_start3A_232 = arith.constant 0 : i32
      %dma_start3A_233 = tpu.memref_slice %arg16[%dma_start3A_232] : memref<10240xf32, #tpu.memory_space<vmem_shared>> -> memref<10240xf32, #tpu.memory_space<vmem_shared>>
      tpu.enqueue_indirect_dma source(%arg15 : memref<128xf32, #tpu.memory_space<vmem>>) target(%dma_start3A_233 : memref<10240xf32, #tpu.memory_space<vmem_shared>>) offsets(%dma_start3A_231 : memref<128xi32, #tpu.memory_space<vmem>>) semaphore(%arg14 : memref<!tpu.dma_semaphore, #tpu.memory_space<semaphore_mem>>) {add = true}
      %dma_wait3A_234 = arith.constant 0 : i32
      %dma_wait3A_235 = arith.constant 0 : i32
      %dma_wait3A_236 = arith.constant 0 : i32
      %dma_wait3A_237 = tpu.memref_slice %arg10[%dma_wait3A_234, %dma_wait3A_235, %dma_wait3A_236] : memref<5x128x32xf32, #tpu.memory_space<vmem>> -> memref<1x128x32xf32, #tpu.memory_space<vmem>>
      %dma_wait3A_238 = tpu.memref_squeeze %dma_wait3A_237 : memref<1x128x32xf32, #tpu.memory_space<vmem>> -> memref<128x32xf32, #tpu.memory_space<vmem>>
      %dma_wait3A_239 = tpu.memref_slice %arg9[%add3A_165] : memref<10240xi32, #tpu.memory_space<vmem>> -> memref<128xi32, #tpu.memory_space<vmem>>
      %dma_wait3A_240 = arith.constant 0 : i32
      %dma_wait3A_241 = arith.constant 0 : i32
      %dma_wait3A_242 = tpu.memref_slice %arg11[%dma_wait3A_240, %dma_wait3A_241] : memref<10240x32xf32, #tpu.memory_space<vmem_shared>> -> memref<10240x32xf32, #tpu.memory_space<vmem_shared>>
      tpu.wait_indirect_dma semaphore(%arg14 : memref<!tpu.dma_semaphore, #tpu.memory_space<semaphore_mem>>) src(%dma_wait3A_238 : memref<128x32xf32, #tpu.memory_space<vmem>>) dst(%dma_wait3A_242 : memref<10240x32xf32, #tpu.memory_space<vmem_shared>>)
      %dma_wait3A_243 = tpu.memref_slice %arg9[%add3A_165] : memref<10240xi32, #tpu.memory_space<vmem>> -> memref<128xi32, #tpu.memory_space<vmem>>
      %dma_wait3A_244 = arith.constant 0 : i32
      %dma_wait3A_245 = tpu.memref_slice %arg16[%dma_wait3A_244] : memref<10240xf32, #tpu.memory_space<vmem_shared>> -> memref<10240xf32, #tpu.memory_space<vmem_shared>>
      tpu.wait_indirect_dma semaphore(%arg14 : memref<!tpu.dma_semaphore, #tpu.memory_space<semaphore_mem>>) src(%arg15 : memref<128xf32, #tpu.memory_space<vmem>>) dst(%dma_wait3A_245 : memref<10240xf32, #tpu.memory_space<vmem_shared>>)
      %dma_wait3A_246 = arith.constant 1 : i32
      %dma_wait3A_247 = arith.constant 0 : i32
      %dma_wait3A_248 = arith.constant 0 : i32
      %dma_wait3A_249 = tpu.memref_slice %arg10[%dma_wait3A_246, %dma_wait3A_247, %dma_wait3A_248] : memref<5x128x32xf32, #tpu.memory_space<vmem>> -> memref<1x128x32xf32, #tpu.memory_space<vmem>>
      %dma_wait3A_250 = tpu.memref_squeeze %dma_wait3A_249 : memref<1x128x32xf32, #tpu.memory_space<vmem>> -> memref<128x32xf32, #tpu.memory_space<vmem>>
      %dma_wait3A_251 = tpu.memref_slice %arg9[%add3A_179] : memref<10240xi32, #tpu.memory_space<vmem>> -> memref<128xi32, #tpu.memory_space<vmem>>
      %dma_wait3A_252 = arith.constant 0 : i32
      %dma_wait3A_253 = arith.constant 0 : i32
      %dma_wait3A_254 = tpu.memref_slice %arg11[%dma_wait3A_252, %dma_wait3A_253] : memref<10240x32xf32, #tpu.memory_space<vmem_shared>> -> memref<10240x32xf32, #tpu.memory_space<vmem_shared>>
      tpu.wait_indirect_dma semaphore(%arg14 : memref<!tpu.dma_semaphore, #tpu.memory_space<semaphore_mem>>) src(%dma_wait3A_250 : memref<128x32xf32, #tpu.memory_space<vmem>>) dst(%dma_wait3A_254 : memref<10240x32xf32, #tpu.memory_space<vmem_shared>>)
      %dma_wait3A_255 = tpu.memref_slice %arg9[%add3A_179] : memref<10240xi32, #tpu.memory_space<vmem>> -> memref<128xi32, #tpu.memory_space<vmem>>
      %dma_wait3A_256 = arith.constant 0 : i32
      %dma_wait3A_257 = tpu.memref_slice %arg16[%dma_wait3A_256] : memref<10240xf32, #tpu.memory_space<vmem_shared>> -> memref<10240xf32, #tpu.memory_space<vmem_shared>>
      tpu.wait_indirect_dma semaphore(%arg14 : memref<!tpu.dma_semaphore, #tpu.memory_space<semaphore_mem>>) src(%arg15 : memref<128xf32, #tpu.memory_space<vmem>>) dst(%dma_wait3A_257 : memref<10240xf32, #tpu.memory_space<vmem_shared>>)
      %dma_wait3A_258 = arith.constant 2 : i32
      %dma_wait3A_259 = arith.constant 0 : i32
      %dma_wait3A_260 = arith.constant 0 : i32
      %dma_wait3A_261 = tpu.memref_slice %arg10[%dma_wait3A_258, %dma_wait3A_259, %dma_wait3A_260] : memref<5x128x32xf32, #tpu.memory_space<vmem>> -> memref<1x128x32xf32, #tpu.memory_space<vmem>>
      %dma_wait3A_262 = tpu.memref_squeeze %dma_wait3A_261 : memref<1x128x32xf32, #tpu.memory_space<vmem>> -> memref<128x32xf32, #tpu.memory_space<vmem>>
      %dma_wait3A_263 = tpu.memref_slice %arg9[%add3A_193] : memref<10240xi32, #tpu.memory_space<vmem>> -> memref<128xi32, #tpu.memory_space<vmem>>
      %dma_wait3A_264 = arith.constant 0 : i32
      %dma_wait3A_265 = arith.constant 0 : i32
      %dma_wait3A_266 = tpu.memref_slice %arg11[%dma_wait3A_264, %dma_wait3A_265] : memref<10240x32xf32, #tpu.memory_space<vmem_shared>> -> memref<10240x32xf32, #tpu.memory_space<vmem_shared>>
      tpu.wait_indirect_dma semaphore(%arg14 : memref<!tpu.dma_semaphore, #tpu.memory_space<semaphore_mem>>) src(%dma_wait3A_262 : memref<128x32xf32, #tpu.memory_space<vmem>>) dst(%dma_wait3A_266 : memref<10240x32xf32, #tpu.memory_space<vmem_shared>>)
      %dma_wait3A_267 = tpu.memref_slice %arg9[%add3A_193] : memref<10240xi32, #tpu.memory_space<vmem>> -> memref<128xi32, #tpu.memory_space<vmem>>
      %dma_wait3A_268 = arith.constant 0 : i32
      %dma_wait3A_269 = tpu.memref_slice %arg16[%dma_wait3A_268] : memref<10240xf32, #tpu.memory_space<vmem_shared>> -> memref<10240xf32, #tpu.memory_space<vmem_shared>>
      tpu.wait_indirect_dma semaphore(%arg14 : memref<!tpu.dma_semaphore, #tpu.memory_space<semaphore_mem>>) src(%arg15 : memref<128xf32, #tpu.memory_space<vmem>>) dst(%dma_wait3A_269 : memref<10240xf32, #tpu.memory_space<vmem_shared>>)
      %dma_wait3A_270 = arith.constant 3 : i32
      %dma_wait3A_271 = arith.constant 0 : i32
      %dma_wait3A_272 = arith.constant 0 : i32
      %dma_wait3A_273 = tpu.memref_slice %arg10[%dma_wait3A_270, %dma_wait3A_271, %dma_wait3A_272] : memref<5x128x32xf32, #tpu.memory_space<vmem>> -> memref<1x128x32xf32, #tpu.memory_space<vmem>>
      %dma_wait3A_274 = tpu.memref_squeeze %dma_wait3A_273 : memref<1x128x32xf32, #tpu.memory_space<vmem>> -> memref<128x32xf32, #tpu.memory_space<vmem>>
      %dma_wait3A_275 = tpu.memref_slice %arg9[%add3A_207] : memref<10240xi32, #tpu.memory_space<vmem>> -> memref<128xi32, #tpu.memory_space<vmem>>
      %dma_wait3A_276 = arith.constant 0 : i32
      %dma_wait3A_277 = arith.constant 0 : i32
      %dma_wait3A_278 = tpu.memref_slice %arg11[%dma_wait3A_276, %dma_wait3A_277] : memref<10240x32xf32, #tpu.memory_space<vmem_shared>> -> memref<10240x32xf32, #tpu.memory_space<vmem_shared>>
      tpu.wait_indirect_dma semaphore(%arg14 : memref<!tpu.dma_semaphore, #tpu.memory_space<semaphore_mem>>) src(%dma_wait3A_274 : memref<128x32xf32, #tpu.memory_space<vmem>>) dst(%dma_wait3A_278 : memref<10240x32xf32, #tpu.memory_space<vmem_shared>>)
      %dma_wait3A_279 = tpu.memref_slice %arg9[%add3A_207] : memref<10240xi32, #tpu.memory_space<vmem>> -> memref<128xi32, #tpu.memory_space<vmem>>
      %dma_wait3A_280 = arith.constant 0 : i32
      %dma_wait3A_281 = tpu.memref_slice %arg16[%dma_wait3A_280] : memref<10240xf32, #tpu.memory_space<vmem_shared>> -> memref<10240xf32, #tpu.memory_space<vmem_shared>>
      tpu.wait_indirect_dma semaphore(%arg14 : memref<!tpu.dma_semaphore, #tpu.memory_space<semaphore_mem>>) src(%arg15 : memref<128xf32, #tpu.memory_space<vmem>>) dst(%dma_wait3A_281 : memref<10240xf32, #tpu.memory_space<vmem_shared>>)
      %dma_wait3A_282 = arith.constant 4 : i32
      %dma_wait3A_283 = arith.constant 0 : i32
      %dma_wait3A_284 = arith.constant 0 : i32
      %dma_wait3A_285 = tpu.memref_slice %arg10[%dma_wait3A_282, %dma_wait3A_283, %dma_wait3A_284] : memref<5x128x32xf32, #tpu.memory_space<vmem>> -> memref<1x128x32xf32, #tpu.memory_space<vmem>>
      %dma_wait3A_286 = tpu.memref_squeeze %dma_wait3A_285 : memref<1x128x32xf32, #tpu.memory_space<vmem>> -> memref<128x32xf32, #tpu.memory_space<vmem>>
      %dma_wait3A_287 = tpu.memref_slice %arg9[%add3A_221] : memref<10240xi32, #tpu.memory_space<vmem>> -> memref<128xi32, #tpu.memory_space<vmem>>
      %dma_wait3A_288 = arith.constant 0 : i32
      %dma_wait3A_289 = arith.constant 0 : i32
      %dma_wait3A_290 = tpu.memref_slice %arg11[%dma_wait3A_288, %dma_wait3A_289] : memref<10240x32xf32, #tpu.memory_space<vmem_shared>> -> memref<10240x32xf32, #tpu.memory_space<vmem_shared>>
      tpu.wait_indirect_dma semaphore(%arg14 : memref<!tpu.dma_semaphore, #tpu.memory_space<semaphore_mem>>) src(%dma_wait3A_286 : memref<128x32xf32, #tpu.memory_space<vmem>>) dst(%dma_wait3A_290 : memref<10240x32xf32, #tpu.memory_space<vmem_shared>>)
      %dma_wait3A_291 = tpu.memref_slice %arg9[%add3A_221] : memref<10240xi32, #tpu.memory_space<vmem>> -> memref<128xi32, #tpu.memory_space<vmem>>
      %dma_wait3A_292 = arith.constant 0 : i32
      %dma_wait3A_293 = tpu.memref_slice %arg16[%dma_wait3A_292] : memref<10240xf32, #tpu.memory_space<vmem_shared>> -> memref<10240xf32, #tpu.memory_space<vmem_shared>>
      tpu.wait_indirect_dma semaphore(%arg14 : memref<!tpu.dma_semaphore, #tpu.memory_space<semaphore_mem>>) src(%arg15 : memref<128xf32, #tpu.memory_space<vmem>>) dst(%dma_wait3A_293 : memref<10240xf32, #tpu.memory_space<vmem_shared>>)
    }
    %scan3A_61 = arith.constant 16 : i32
    %barrier3A_62 = arith.constant 0 : index
    tpu.barrier barrier_id(%barrier3A_62)
    "tpu.region"() ({
      %run_scoped3A = tpu.sem_alloc : memref<!tpu.dma_semaphore, #tpu.memory_space<semaphore_mem>>
      %dma_start3A = arith.constant 0 : i32
      %dma_start3A_63 = arith.constant 0 : i32
      %dma_start3A_64 = tpu.memref_slice %arg6[%arg0, %dma_start3A, %dma_start3A_63] : memref<2x10240x32xf32, #tpu.memory_space<hbm>> -> memref<1x10240x32xf32, #tpu.memory_space<hbm>>
      %dma_start3A_65 = tpu.memref_squeeze %dma_start3A_64 : memref<1x10240x32xf32, #tpu.memory_space<hbm>> -> memref<10240x32xf32, #tpu.memory_space<hbm>>
      %dma_start3A_66 = arith.constant 0 : i32
      %dma_start3A_67 = tpu.memref_slice %dma_start3A_65[%mul3A_4, %dma_start3A_66] : memref<10240x32xf32, #tpu.memory_space<hbm>> -> memref<640x32xf32, #tpu.memory_space<hbm>>
      %dma_start3A_68 = arith.constant 0 : i32
      %dma_start3A_69 = tpu.memref_slice %arg11[%mul3A_4, %dma_start3A_68] : memref<10240x32xf32, #tpu.memory_space<vmem_shared>> -> memref<640x32xf32, #tpu.memory_space<vmem_shared>>
      tpu.enqueue_dma source(%dma_start3A_69 : memref<640x32xf32, #tpu.memory_space<vmem_shared>>) target(%dma_start3A_67 : memref<640x32xf32, #tpu.memory_space<hbm>>) target_semaphore(%run_scoped3A : memref<!tpu.dma_semaphore, #tpu.memory_space<semaphore_mem>>)
      %dma_wait3A = arith.constant 0 : i32
      %dma_wait3A_70 = arith.constant 0 : i32
      %dma_wait3A_71 = tpu.memref_slice %arg6[%arg0, %dma_wait3A, %dma_wait3A_70] : memref<2x10240x32xf32, #tpu.memory_space<hbm>> -> memref<1x10240x32xf32, #tpu.memory_space<hbm>>
      %dma_wait3A_72 = tpu.memref_squeeze %dma_wait3A_71 : memref<1x10240x32xf32, #tpu.memory_space<hbm>> -> memref<10240x32xf32, #tpu.memory_space<hbm>>
      %dma_wait3A_73 = arith.constant 0 : i32
      %dma_wait3A_74 = tpu.memref_slice %dma_wait3A_72[%mul3A_4, %dma_wait3A_73] : memref<10240x32xf32, #tpu.memory_space<hbm>> -> memref<640x32xf32, #tpu.memory_space<hbm>>
      %dma_wait3A_75 = arith.constant 0 : i32
      %dma_wait3A_76 = tpu.memref_slice %arg11[%mul3A_4, %dma_wait3A_75] : memref<10240x32xf32, #tpu.memory_space<vmem_shared>> -> memref<640x32xf32, #tpu.memory_space<vmem_shared>>
      tpu.wait_dma2 semaphore(%run_scoped3A : memref<!tpu.dma_semaphore, #tpu.memory_space<semaphore_mem>>) src(%dma_wait3A_76 : memref<640x32xf32, #tpu.memory_space<vmem_shared>>) dst(%dma_wait3A_74 : memref<640x32xf32, #tpu.memory_space<hbm>>)
      tpu.yield
    }) : () -> ()
    "tpu.region"() ({
      %run_scoped3A = tpu.sem_alloc : memref<!tpu.dma_semaphore, #tpu.memory_space<semaphore_mem>>
      %dma_start3A = arith.constant 0 : i32
      %dma_start3A_63 = tpu.memref_slice %arg7[%arg0, %dma_start3A] : memref<2x10240xf32, #tpu.memory_space<hbm>> -> memref<1x10240xf32, #tpu.memory_space<hbm>>
      %dma_start3A_64 = tpu.memref_squeeze %dma_start3A_63 : memref<1x10240xf32, #tpu.memory_space<hbm>> -> memref<10240xf32, #tpu.memory_space<hbm>>
      %dma_start3A_65 = tpu.memref_slice %dma_start3A_64[%mul3A_4] : memref<10240xf32, #tpu.memory_space<hbm>> -> memref<640xf32, #tpu.memory_space<hbm>>
      %dma_start3A_66 = tpu.memref_slice %arg16[%mul3A_4] : memref<10240xf32, #tpu.memory_space<vmem_shared>> -> memref<640xf32, #tpu.memory_space<vmem_shared>>
      tpu.enqueue_dma source(%dma_start3A_66 : memref<640xf32, #tpu.memory_space<vmem_shared>>) target(%dma_start3A_65 : memref<640xf32, #tpu.memory_space<hbm>>) target_semaphore(%run_scoped3A : memref<!tpu.dma_semaphore, #tpu.memory_space<semaphore_mem>>)
      %dma_wait3A = arith.constant 0 : i32
      %dma_wait3A_67 = tpu.memref_slice %arg7[%arg0, %dma_wait3A] : memref<2x10240xf32, #tpu.memory_space<hbm>> -> memref<1x10240xf32, #tpu.memory_space<hbm>>
      %dma_wait3A_68 = tpu.memref_squeeze %dma_wait3A_67 : memref<1x10240xf32, #tpu.memory_space<hbm>> -> memref<10240xf32, #tpu.memory_space<hbm>>
      %dma_wait3A_69 = tpu.memref_slice %dma_wait3A_68[%mul3A_4] : memref<10240xf32, #tpu.memory_space<hbm>> -> memref<640xf32, #tpu.memory_space<hbm>>
      %dma_wait3A_70 = tpu.memref_slice %arg16[%mul3A_4] : memref<10240xf32, #tpu.memory_space<vmem_shared>> -> memref<640xf32, #tpu.memory_space<vmem_shared>>
      tpu.wait_dma2 semaphore(%run_scoped3A : memref<!tpu.dma_semaphore, #tpu.memory_space<semaphore_mem>>) src(%dma_wait3A_70 : memref<640xf32, #tpu.memory_space<vmem_shared>>) dst(%dma_wait3A_69 : memref<640xf32, #tpu.memory_space<hbm>>)
      tpu.yield
    }) : () -> ()
    return
  }
}

#map = affine_map<(d0, d1) -> (0, 0)>
#map1 = affine_map<(d0, d1) -> (0)>
#map2 = affine_map<(d0, d1) -> (0, 0, 0)>
module attributes {stable_mosaic.version = 14 : i64} {
  func.func @body(%arg0: i32, %arg1: i32, %arg2: memref<10240x8xf32, #tpu.memory_space<hbm>>, %arg3: memref<640000xi32, #tpu.memory_space<hbm>>, %arg4: memref<10240x8xf32, #tpu.memory_space<hbm>>, %arg5: memref<2x10240x8xf32, #tpu.memory_space<hbm>>, %arg6: memref<10240xi32, #tpu.memory_space<vmem>>, %arg7: memref<10240xi32, #tpu.memory_space<vmem>>, %arg8: memref<8x128x8xf32, #tpu.memory_space<vmem>>, %arg9: memref<10240x8xf32, #tpu.memory_space<vmem_shared>>, %arg10: memref<10240x8xf32, #tpu.memory_space<vmem_shared>>, %arg11: memref<!tpu.dma_semaphore, #tpu.memory_space<semaphore_mem>>, %arg12: memref<!tpu.dma_semaphore, #tpu.memory_space<semaphore_mem>>) attributes {dimension_semantics = [#tpu.dimension_semantics<core_parallel>, #tpu.dimension_semantics<subcore_parallel>], iteration_bounds = array<i64: 2, 16>, scalar_prefetch = 0 : i64, scratch_operands = 7 : i64, tpu.core_type = #tpu.core_type<sc_vector_subcore>, window_params = [{transform_indices = #map}, {transform_indices = #map1}, {transform_indices = #map}, {transform_indices = #map2}]} {
    %mul3A = arith.constant 2 : i32
    %mul3A_0 = arith.muli %arg1, %mul3A : i32
    %add3A = arith.addi %mul3A_0, %arg0 : i32
    %mul3A_1 = arith.constant 10240 : i32
    %mul3A_2 = arith.muli %add3A, %mul3A_1 : i32
    %mul3A_3 = arith.constant 640 : i32
    %mul3A_4 = arith.muli %arg1, %mul3A_3 : i32
    "tpu.region"() ({
      %run_scoped3A = tpu.sem_alloc : memref<!tpu.dma_semaphore, #tpu.memory_space<semaphore_mem>>
      %dma_start3A = arith.constant 0 : i32
      %dma_start3A_17 = tpu.memref_slice %arg9[%mul3A_4, %dma_start3A] : memref<10240x8xf32, #tpu.memory_space<vmem_shared>> -> memref<640x8xf32, #tpu.memory_space<vmem_shared>>
      %dma_start3A_18 = arith.constant 0 : i32
      %dma_start3A_19 = tpu.memref_slice %arg4[%mul3A_4, %dma_start3A_18] : memref<10240x8xf32, #tpu.memory_space<hbm>> -> memref<640x8xf32, #tpu.memory_space<hbm>>
      tpu.enqueue_dma source(%dma_start3A_19 : memref<640x8xf32, #tpu.memory_space<hbm>>) target(%dma_start3A_17 : memref<640x8xf32, #tpu.memory_space<vmem_shared>>) target_semaphore(%run_scoped3A : memref<!tpu.dma_semaphore, #tpu.memory_space<semaphore_mem>>)
      %dma_wait3A = arith.constant 0 : i32
      %dma_wait3A_20 = tpu.memref_slice %arg9[%mul3A_4, %dma_wait3A] : memref<10240x8xf32, #tpu.memory_space<vmem_shared>> -> memref<640x8xf32, #tpu.memory_space<vmem_shared>>
      %dma_wait3A_21 = arith.constant 0 : i32
      %dma_wait3A_22 = tpu.memref_slice %arg4[%mul3A_4, %dma_wait3A_21] : memref<10240x8xf32, #tpu.memory_space<hbm>> -> memref<640x8xf32, #tpu.memory_space<hbm>>
      tpu.wait_dma2 semaphore(%run_scoped3A : memref<!tpu.dma_semaphore, #tpu.memory_space<semaphore_mem>>) src(%dma_wait3A_22 : memref<640x8xf32, #tpu.memory_space<hbm>>) dst(%dma_wait3A_20 : memref<640x8xf32, #tpu.memory_space<vmem_shared>>)
      tpu.yield
    }) : () -> ()
    "tpu.region"() ({
      %run_scoped3A = tpu.sem_alloc : memref<!tpu.dma_semaphore, #tpu.memory_space<semaphore_mem>>
      %dma_start3A = arith.constant 0 : i32
      %dma_start3A_17 = tpu.memref_slice %arg10[%mul3A_4, %dma_start3A] : memref<10240x8xf32, #tpu.memory_space<vmem_shared>> -> memref<640x8xf32, #tpu.memory_space<vmem_shared>>
      %dma_start3A_18 = arith.constant 0 : i32
      %dma_start3A_19 = tpu.memref_slice %arg2[%mul3A_4, %dma_start3A_18] : memref<10240x8xf32, #tpu.memory_space<hbm>> -> memref<640x8xf32, #tpu.memory_space<hbm>>
      tpu.enqueue_dma source(%dma_start3A_19 : memref<640x8xf32, #tpu.memory_space<hbm>>) target(%dma_start3A_17 : memref<640x8xf32, #tpu.memory_space<vmem_shared>>) target_semaphore(%run_scoped3A : memref<!tpu.dma_semaphore, #tpu.memory_space<semaphore_mem>>)
      %dma_wait3A = arith.constant 0 : i32
      %dma_wait3A_20 = tpu.memref_slice %arg10[%mul3A_4, %dma_wait3A] : memref<10240x8xf32, #tpu.memory_space<vmem_shared>> -> memref<640x8xf32, #tpu.memory_space<vmem_shared>>
      %dma_wait3A_21 = arith.constant 0 : i32
      %dma_wait3A_22 = tpu.memref_slice %arg2[%mul3A_4, %dma_wait3A_21] : memref<10240x8xf32, #tpu.memory_space<hbm>> -> memref<640x8xf32, #tpu.memory_space<hbm>>
      tpu.wait_dma2 semaphore(%run_scoped3A : memref<!tpu.dma_semaphore, #tpu.memory_space<semaphore_mem>>) src(%dma_wait3A_22 : memref<640x8xf32, #tpu.memory_space<hbm>>) dst(%dma_wait3A_20 : memref<640x8xf32, #tpu.memory_space<vmem_shared>>)
      tpu.yield
    }) : () -> ()
    %ne3A = arith.constant 31 : i32
    %ne3A_5 = arith.cmpi ne, %add3A, %ne3A : i32
    %convert_element_type3A = arith.extui %ne3A_5 : i1 to i32
    %cond3A = arith.constant 0 : i32
    %cond3A_6 = arith.cmpi ne, %convert_element_type3A, %cond3A : i32
    scf.if %cond3A_6 {
      "tpu.region"() ({
        %run_scoped3A = tpu.sem_alloc : memref<!tpu.dma_semaphore, #tpu.memory_space<semaphore_mem>>
        %dma_start3A = tpu.memref_slice %arg3[%mul3A_2] : memref<640000xi32, #tpu.memory_space<hbm>> -> memref<10240xi32, #tpu.memory_space<hbm>>
        %dma_start3A_19 = tpu.memref_slice %arg3[%mul3A_2] : memref<640000xi32, #tpu.memory_space<hbm>> -> memref<10240xi32, #tpu.memory_space<hbm>>
        tpu.enqueue_dma source(%dma_start3A_19 : memref<10240xi32, #tpu.memory_space<hbm>>) target(%arg6 : memref<10240xi32, #tpu.memory_space<vmem>>) target_semaphore(%run_scoped3A : memref<!tpu.dma_semaphore, #tpu.memory_space<semaphore_mem>>)
        %dma_wait3A = tpu.memref_slice %arg3[%mul3A_2] : memref<640000xi32, #tpu.memory_space<hbm>> -> memref<10240xi32, #tpu.memory_space<hbm>>
        %dma_wait3A_20 = tpu.memref_slice %arg3[%mul3A_2] : memref<640000xi32, #tpu.memory_space<hbm>> -> memref<10240xi32, #tpu.memory_space<hbm>>
        tpu.wait_dma2 semaphore(%run_scoped3A : memref<!tpu.dma_semaphore, #tpu.memory_space<semaphore_mem>>) src(%dma_wait3A_20 : memref<10240xi32, #tpu.memory_space<hbm>>) dst(%arg6 : memref<10240xi32, #tpu.memory_space<vmem>>)
        tpu.yield
      }) : () -> ()
      %add3A_17 = arith.constant 320000 : i32
      %add3A_18 = arith.addi %add3A_17, %mul3A_2 : i32
      "tpu.region"() ({
        %run_scoped3A = tpu.sem_alloc : memref<!tpu.dma_semaphore, #tpu.memory_space<semaphore_mem>>
        %dma_start3A = tpu.memref_slice %arg3[%add3A_18] : memref<640000xi32, #tpu.memory_space<hbm>> -> memref<10240xi32, #tpu.memory_space<hbm>>
        %dma_start3A_19 = tpu.memref_slice %arg3[%add3A_18] : memref<640000xi32, #tpu.memory_space<hbm>> -> memref<10240xi32, #tpu.memory_space<hbm>>
        tpu.enqueue_dma source(%dma_start3A_19 : memref<10240xi32, #tpu.memory_space<hbm>>) target(%arg7 : memref<10240xi32, #tpu.memory_space<vmem>>) target_semaphore(%run_scoped3A : memref<!tpu.dma_semaphore, #tpu.memory_space<semaphore_mem>>)
        %dma_wait3A = tpu.memref_slice %arg3[%add3A_18] : memref<640000xi32, #tpu.memory_space<hbm>> -> memref<10240xi32, #tpu.memory_space<hbm>>
        %dma_wait3A_20 = tpu.memref_slice %arg3[%add3A_18] : memref<640000xi32, #tpu.memory_space<hbm>> -> memref<10240xi32, #tpu.memory_space<hbm>>
        tpu.wait_dma2 semaphore(%run_scoped3A : memref<!tpu.dma_semaphore, #tpu.memory_space<semaphore_mem>>) src(%dma_wait3A_20 : memref<10240xi32, #tpu.memory_space<hbm>>) dst(%arg7 : memref<10240xi32, #tpu.memory_space<vmem>>)
        tpu.yield
      }) : () -> ()
    } else {
    }
    %eq3A = arith.constant 31 : i32
    %eq3A_7 = arith.cmpi eq, %add3A, %eq3A : i32
    %convert_element_type3A_8 = arith.extui %eq3A_7 : i1 to i32
    %cond3A_9 = arith.constant 0 : i32
    %cond3A_10 = arith.cmpi ne, %convert_element_type3A_8, %cond3A_9 : i32
    scf.if %cond3A_10 {
      "tpu.region"() ({
        %run_scoped3A = tpu.sem_alloc : memref<!tpu.dma_semaphore, #tpu.memory_space<semaphore_mem>>
        %dma_start3A = tpu.memref_slice %arg3[%mul3A_2] : memref<640000xi32, #tpu.memory_space<hbm>> -> memref<10240xi32, #tpu.memory_space<hbm>>
        %dma_start3A_25 = tpu.memref_slice %arg3[%mul3A_2] : memref<640000xi32, #tpu.memory_space<hbm>> -> memref<10240xi32, #tpu.memory_space<hbm>>
        tpu.enqueue_dma source(%dma_start3A_25 : memref<10240xi32, #tpu.memory_space<hbm>>) target(%arg6 : memref<10240xi32, #tpu.memory_space<vmem>>) target_semaphore(%run_scoped3A : memref<!tpu.dma_semaphore, #tpu.memory_space<semaphore_mem>>)
        %dma_wait3A = tpu.memref_slice %arg3[%mul3A_2] : memref<640000xi32, #tpu.memory_space<hbm>> -> memref<10240xi32, #tpu.memory_space<hbm>>
        %dma_wait3A_26 = tpu.memref_slice %arg3[%mul3A_2] : memref<640000xi32, #tpu.memory_space<hbm>> -> memref<10240xi32, #tpu.memory_space<hbm>>
        tpu.wait_dma2 semaphore(%run_scoped3A : memref<!tpu.dma_semaphore, #tpu.memory_space<semaphore_mem>>) src(%dma_wait3A_26 : memref<10240xi32, #tpu.memory_space<hbm>>) dst(%arg6 : memref<10240xi32, #tpu.memory_space<vmem>>)
        tpu.yield
      }) : () -> ()
      %add3A_17 = arith.constant 320000 : i32
      %add3A_18 = arith.addi %add3A_17, %mul3A_2 : i32
      "tpu.region"() ({
        %run_scoped3A = tpu.sem_alloc : memref<!tpu.dma_semaphore, #tpu.memory_space<semaphore_mem>>
        %dma_start3A = arith.constant 0 : i32
        %dma_start3A_25 = tpu.memref_slice %arg7[%dma_start3A] : memref<10240xi32, #tpu.memory_space<vmem>> -> memref<2560xi32, #tpu.memory_space<vmem>>
        %dma_start3A_26 = tpu.memref_slice %arg3[%add3A_18] : memref<640000xi32, #tpu.memory_space<hbm>> -> memref<2560xi32, #tpu.memory_space<hbm>>
        %dma_start3A_27 = arith.constant 0 : i32
        %dma_start3A_28 = tpu.memref_slice %arg7[%dma_start3A_27] : memref<10240xi32, #tpu.memory_space<vmem>> -> memref<2560xi32, #tpu.memory_space<vmem>>
        %dma_start3A_29 = tpu.memref_slice %arg3[%add3A_18] : memref<640000xi32, #tpu.memory_space<hbm>> -> memref<2560xi32, #tpu.memory_space<hbm>>
        tpu.enqueue_dma source(%dma_start3A_29 : memref<2560xi32, #tpu.memory_space<hbm>>) target(%dma_start3A_28 : memref<2560xi32, #tpu.memory_space<vmem>>) target_semaphore(%run_scoped3A : memref<!tpu.dma_semaphore, #tpu.memory_space<semaphore_mem>>)
        %dma_wait3A = arith.constant 0 : i32
        %dma_wait3A_30 = tpu.memref_slice %arg7[%dma_wait3A] : memref<10240xi32, #tpu.memory_space<vmem>> -> memref<2560xi32, #tpu.memory_space<vmem>>
        %dma_wait3A_31 = tpu.memref_slice %arg3[%add3A_18] : memref<640000xi32, #tpu.memory_space<hbm>> -> memref<2560xi32, #tpu.memory_space<hbm>>
        %dma_wait3A_32 = arith.constant 0 : i32
        %dma_wait3A_33 = tpu.memref_slice %arg7[%dma_wait3A_32] : memref<10240xi32, #tpu.memory_space<vmem>> -> memref<2560xi32, #tpu.memory_space<vmem>>
        %dma_wait3A_34 = tpu.memref_slice %arg3[%add3A_18] : memref<640000xi32, #tpu.memory_space<hbm>> -> memref<2560xi32, #tpu.memory_space<hbm>>
        tpu.wait_dma2 semaphore(%run_scoped3A : memref<!tpu.dma_semaphore, #tpu.memory_space<semaphore_mem>>) src(%dma_wait3A_34 : memref<2560xi32, #tpu.memory_space<hbm>>) dst(%dma_wait3A_33 : memref<2560xi32, #tpu.memory_space<vmem>>)
        tpu.yield
      }) : () -> ()
      %scan3A_19 = arith.constant 0 : i32
      %scan3A_20 = arith.constant 0 : i32
      %scan3A_21 = arith.constant 480 : i32
      %scan3A_22 = arith.addi %scan3A_20, %scan3A_21 : i32
      %scan3A_23 = arith.constant 1 : i32
      scf.for %scan3A_25 = %scan3A_20 to %scan3A_22 step %scan3A_23  : i32 {
        %iota3A = tpu.iota {dimensions = array<i32: 0>} : vector<16xi32>
        %mul3A_26 = arith.constant 16 : i32
        %mul3A_27 = arith.muli %scan3A_25, %mul3A_26 : i32
        %jit3A = arith.constant 240 : i32
        %eq3A_28 = arith.constant 0 : i32
        %eq3A_29 = arith.cmpi eq, %jit3A, %eq3A_28 : i32
        %jit3A_30 = arith.constant 1 : i32
        %select_n3A = arith.select %eq3A_29, %jit3A_30, %jit3A : i32
        %rem3A = arith.remsi %mul3A_27, %select_n3A : i32
        %ne3A_31 = arith.constant 0 : i32
        %ne3A_32 = arith.cmpi ne, %rem3A, %ne3A_31 : i32
        %lt3A = arith.constant 0 : i32
        %lt3A_33 = arith.cmpi slt, %rem3A, %lt3A : i32
        %lt3A_34 = arith.constant 0 : i32
        %lt3A_35 = arith.cmpi slt, %select_n3A, %lt3A_34 : i32
        %ne3A_36 = arith.xori %lt3A_33, %lt3A_35 : i1
        %and3A = arith.andi %ne3A_36, %ne3A_32 : i1
        %add3A_37 = arith.addi %rem3A, %select_n3A : i32
        %select_n3A_38 = arith.select %and3A, %add3A_37, %rem3A : i32
        %add3A_39 = arith.constant 10000 : i32
        %add3A_40 = arith.addi %add3A_39, %select_n3A_38 : i32
        %add3A_41 = vector.broadcast %add3A_40 : i32 to vector<16xi32>
        %add3A_42 = arith.addi %add3A_41, %iota3A : vector<16xi32>
        %mul3A_43 = arith.constant 16 : i32
        %mul3A_44 = arith.muli %scan3A_25, %mul3A_43 : i32
        %add3A_45 = arith.constant 2560 : i32
        %add3A_46 = arith.addi %add3A_45, %mul3A_44 : i32
        %swap3A = arith.index_cast %add3A_46 : i32 to index
        %swap3A_47 = tpu.vector_load %arg7[%swap3A] {strides = array<i32>} : memref<10240xi32, #tpu.memory_space<vmem>>, vector<16xi32>,
        %swap3A_48 = vector.shape_cast %swap3A_47 : vector<16xi32> to vector<16xi32>
        %swap3A_49 = vector.shape_cast %add3A_42 : vector<16xi32> to vector<16xi32>
        tpu.vector_store %arg7[%swap3A], %swap3A_49 {strides = array<i32>} : memref<10240xi32, #tpu.memory_space<vmem>>, vector<16xi32>,
      }
      %scan3A_24 = arith.constant 480 : i32
    } else {
    }
    %barrier3A = arith.constant 0 : index
    tpu.barrier barrier_id(%barrier3A)
    %scan3A = arith.constant 0 : i32
    %scan3A_11 = arith.constant 0 : i32
    %scan3A_12 = arith.constant 10 : i32
    %scan3A_13 = arith.addi %scan3A_11, %scan3A_12 : i32
    %scan3A_14 = arith.constant 1 : i32
    scf.for %scan3A_17 = %scan3A_11 to %scan3A_13 step %scan3A_14  : i32 {
      %mul3A_18 = arith.constant 1024 : i32
      %mul3A_19 = arith.muli %scan3A_17, %mul3A_18 : i32
      %add3A_20 = arith.constant 0 : i32
      %add3A_21 = arith.addi %mul3A_19, %add3A_20 : i32
      %dma_start3A = arith.constant 0 : i32
      %dma_start3A_22 = arith.constant 0 : i32
      %dma_start3A_23 = arith.constant 0 : i32
      %dma_start3A_24 = tpu.memref_slice %arg8[%dma_start3A, %dma_start3A_22, %dma_start3A_23] : memref<8x128x8xf32, #tpu.memory_space<vmem>> -> memref<1x128x8xf32, #tpu.memory_space<vmem>>
      %dma_start3A_25 = tpu.memref_squeeze %dma_start3A_24 : memref<1x128x8xf32, #tpu.memory_space<vmem>> -> memref<128x8xf32, #tpu.memory_space<vmem>>
      %dma_start3A_26 = tpu.memref_slice %arg6[%add3A_21] : memref<10240xi32, #tpu.memory_space<vmem>> -> memref<128xi32, #tpu.memory_space<vmem>>
      %dma_start3A_27 = arith.constant 0 : i32
      %dma_start3A_28 = arith.constant 0 : i32
      %dma_start3A_29 = tpu.memref_slice %arg10[%dma_start3A_27, %dma_start3A_28] : memref<10240x8xf32, #tpu.memory_space<vmem_shared>> -> memref<10240x8xf32, #tpu.memory_space<vmem_shared>>
      tpu.enqueue_indirect_dma source(%dma_start3A_29 : memref<10240x8xf32, #tpu.memory_space<vmem_shared>>) target(%dma_start3A_25 : memref<128x8xf32, #tpu.memory_space<vmem>>) offsets(%dma_start3A_26 : memref<128xi32, #tpu.memory_space<vmem>>) semaphore(%arg11 : memref<!tpu.dma_semaphore, #tpu.memory_space<semaphore_mem>>)
      %add3A_30 = arith.constant 128 : i32
      %add3A_31 = arith.addi %mul3A_19, %add3A_30 : i32
      %dma_start3A_32 = arith.constant 1 : i32
      %dma_start3A_33 = arith.constant 0 : i32
      %dma_start3A_34 = arith.constant 0 : i32
      %dma_start3A_35 = tpu.memref_slice %arg8[%dma_start3A_32, %dma_start3A_33, %dma_start3A_34] : memref<8x128x8xf32, #tpu.memory_space<vmem>> -> memref<1x128x8xf32, #tpu.memory_space<vmem>>
      %dma_start3A_36 = tpu.memref_squeeze %dma_start3A_35 : memref<1x128x8xf32, #tpu.memory_space<vmem>> -> memref<128x8xf32, #tpu.memory_space<vmem>>
      %dma_start3A_37 = tpu.memref_slice %arg6[%add3A_31] : memref<10240xi32, #tpu.memory_space<vmem>> -> memref<128xi32, #tpu.memory_space<vmem>>
      %dma_start3A_38 = arith.constant 0 : i32
      %dma_start3A_39 = arith.constant 0 : i32
      %dma_start3A_40 = tpu.memref_slice %arg10[%dma_start3A_38, %dma_start3A_39] : memref<10240x8xf32, #tpu.memory_space<vmem_shared>> -> memref<10240x8xf32, #tpu.memory_space<vmem_shared>>
      tpu.enqueue_indirect_dma source(%dma_start3A_40 : memref<10240x8xf32, #tpu.memory_space<vmem_shared>>) target(%dma_start3A_36 : memref<128x8xf32, #tpu.memory_space<vmem>>) offsets(%dma_start3A_37 : memref<128xi32, #tpu.memory_space<vmem>>) semaphore(%arg11 : memref<!tpu.dma_semaphore, #tpu.memory_space<semaphore_mem>>)
      %add3A_41 = arith.constant 256 : i32
      %add3A_42 = arith.addi %mul3A_19, %add3A_41 : i32
      %dma_start3A_43 = arith.constant 2 : i32
      %dma_start3A_44 = arith.constant 0 : i32
      %dma_start3A_45 = arith.constant 0 : i32
      %dma_start3A_46 = tpu.memref_slice %arg8[%dma_start3A_43, %dma_start3A_44, %dma_start3A_45] : memref<8x128x8xf32, #tpu.memory_space<vmem>> -> memref<1x128x8xf32, #tpu.memory_space<vmem>>
      %dma_start3A_47 = tpu.memref_squeeze %dma_start3A_46 : memref<1x128x8xf32, #tpu.memory_space<vmem>> -> memref<128x8xf32, #tpu.memory_space<vmem>>
      %dma_start3A_48 = tpu.memref_slice %arg6[%add3A_42] : memref<10240xi32, #tpu.memory_space<vmem>> -> memref<128xi32, #tpu.memory_space<vmem>>
      %dma_start3A_49 = arith.constant 0 : i32
      %dma_start3A_50 = arith.constant 0 : i32
      %dma_start3A_51 = tpu.memref_slice %arg10[%dma_start3A_49, %dma_start3A_50] : memref<10240x8xf32, #tpu.memory_space<vmem_shared>> -> memref<10240x8xf32, #tpu.memory_space<vmem_shared>>
      tpu.enqueue_indirect_dma source(%dma_start3A_51 : memref<10240x8xf32, #tpu.memory_space<vmem_shared>>) target(%dma_start3A_47 : memref<128x8xf32, #tpu.memory_space<vmem>>) offsets(%dma_start3A_48 : memref<128xi32, #tpu.memory_space<vmem>>) semaphore(%arg11 : memref<!tpu.dma_semaphore, #tpu.memory_space<semaphore_mem>>)
      %add3A_52 = arith.constant 384 : i32
      %add3A_53 = arith.addi %mul3A_19, %add3A_52 : i32
      %dma_start3A_54 = arith.constant 3 : i32
      %dma_start3A_55 = arith.constant 0 : i32
      %dma_start3A_56 = arith.constant 0 : i32
      %dma_start3A_57 = tpu.memref_slice %arg8[%dma_start3A_54, %dma_start3A_55, %dma_start3A_56] : memref<8x128x8xf32, #tpu.memory_space<vmem>> -> memref<1x128x8xf32, #tpu.memory_space<vmem>>
      %dma_start3A_58 = tpu.memref_squeeze %dma_start3A_57 : memref<1x128x8xf32, #tpu.memory_space<vmem>> -> memref<128x8xf32, #tpu.memory_space<vmem>>
      %dma_start3A_59 = tpu.memref_slice %arg6[%add3A_53] : memref<10240xi32, #tpu.memory_space<vmem>> -> memref<128xi32, #tpu.memory_space<vmem>>
      %dma_start3A_60 = arith.constant 0 : i32
      %dma_start3A_61 = arith.constant 0 : i32
      %dma_start3A_62 = tpu.memref_slice %arg10[%dma_start3A_60, %dma_start3A_61] : memref<10240x8xf32, #tpu.memory_space<vmem_shared>> -> memref<10240x8xf32, #tpu.memory_space<vmem_shared>>
      tpu.enqueue_indirect_dma source(%dma_start3A_62 : memref<10240x8xf32, #tpu.memory_space<vmem_shared>>) target(%dma_start3A_58 : memref<128x8xf32, #tpu.memory_space<vmem>>) offsets(%dma_start3A_59 : memref<128xi32, #tpu.memory_space<vmem>>) semaphore(%arg11 : memref<!tpu.dma_semaphore, #tpu.memory_space<semaphore_mem>>)
      %add3A_63 = arith.constant 512 : i32
      %add3A_64 = arith.addi %mul3A_19, %add3A_63 : i32
      %dma_start3A_65 = arith.constant 4 : i32
      %dma_start3A_66 = arith.constant 0 : i32
      %dma_start3A_67 = arith.constant 0 : i32
      %dma_start3A_68 = tpu.memref_slice %arg8[%dma_start3A_65, %dma_start3A_66, %dma_start3A_67] : memref<8x128x8xf32, #tpu.memory_space<vmem>> -> memref<1x128x8xf32, #tpu.memory_space<vmem>>
      %dma_start3A_69 = tpu.memref_squeeze %dma_start3A_68 : memref<1x128x8xf32, #tpu.memory_space<vmem>> -> memref<128x8xf32, #tpu.memory_space<vmem>>
      %dma_start3A_70 = tpu.memref_slice %arg6[%add3A_64] : memref<10240xi32, #tpu.memory_space<vmem>> -> memref<128xi32, #tpu.memory_space<vmem>>
      %dma_start3A_71 = arith.constant 0 : i32
      %dma_start3A_72 = arith.constant 0 : i32
      %dma_start3A_73 = tpu.memref_slice %arg10[%dma_start3A_71, %dma_start3A_72] : memref<10240x8xf32, #tpu.memory_space<vmem_shared>> -> memref<10240x8xf32, #tpu.memory_space<vmem_shared>>
      tpu.enqueue_indirect_dma source(%dma_start3A_73 : memref<10240x8xf32, #tpu.memory_space<vmem_shared>>) target(%dma_start3A_69 : memref<128x8xf32, #tpu.memory_space<vmem>>) offsets(%dma_start3A_70 : memref<128xi32, #tpu.memory_space<vmem>>) semaphore(%arg11 : memref<!tpu.dma_semaphore, #tpu.memory_space<semaphore_mem>>)
      %add3A_74 = arith.constant 640 : i32
      %add3A_75 = arith.addi %mul3A_19, %add3A_74 : i32
      %dma_start3A_76 = arith.constant 5 : i32
      %dma_start3A_77 = arith.constant 0 : i32
      %dma_start3A_78 = arith.constant 0 : i32
      %dma_start3A_79 = tpu.memref_slice %arg8[%dma_start3A_76, %dma_start3A_77, %dma_start3A_78] : memref<8x128x8xf32, #tpu.memory_space<vmem>> -> memref<1x128x8xf32, #tpu.memory_space<vmem>>
      %dma_start3A_80 = tpu.memref_squeeze %dma_start3A_79 : memref<1x128x8xf32, #tpu.memory_space<vmem>> -> memref<128x8xf32, #tpu.memory_space<vmem>>
      %dma_start3A_81 = tpu.memref_slice %arg6[%add3A_75] : memref<10240xi32, #tpu.memory_space<vmem>> -> memref<128xi32, #tpu.memory_space<vmem>>
      %dma_start3A_82 = arith.constant 0 : i32
      %dma_start3A_83 = arith.constant 0 : i32
      %dma_start3A_84 = tpu.memref_slice %arg10[%dma_start3A_82, %dma_start3A_83] : memref<10240x8xf32, #tpu.memory_space<vmem_shared>> -> memref<10240x8xf32, #tpu.memory_space<vmem_shared>>
      tpu.enqueue_indirect_dma source(%dma_start3A_84 : memref<10240x8xf32, #tpu.memory_space<vmem_shared>>) target(%dma_start3A_80 : memref<128x8xf32, #tpu.memory_space<vmem>>) offsets(%dma_start3A_81 : memref<128xi32, #tpu.memory_space<vmem>>) semaphore(%arg11 : memref<!tpu.dma_semaphore, #tpu.memory_space<semaphore_mem>>)
      %add3A_85 = arith.constant 768 : i32
      %add3A_86 = arith.addi %mul3A_19, %add3A_85 : i32
      %dma_start3A_87 = arith.constant 6 : i32
      %dma_start3A_88 = arith.constant 0 : i32
      %dma_start3A_89 = arith.constant 0 : i32
      %dma_start3A_90 = tpu.memref_slice %arg8[%dma_start3A_87, %dma_start3A_88, %dma_start3A_89] : memref<8x128x8xf32, #tpu.memory_space<vmem>> -> memref<1x128x8xf32, #tpu.memory_space<vmem>>
      %dma_start3A_91 = tpu.memref_squeeze %dma_start3A_90 : memref<1x128x8xf32, #tpu.memory_space<vmem>> -> memref<128x8xf32, #tpu.memory_space<vmem>>
      %dma_start3A_92 = tpu.memref_slice %arg6[%add3A_86] : memref<10240xi32, #tpu.memory_space<vmem>> -> memref<128xi32, #tpu.memory_space<vmem>>
      %dma_start3A_93 = arith.constant 0 : i32
      %dma_start3A_94 = arith.constant 0 : i32
      %dma_start3A_95 = tpu.memref_slice %arg10[%dma_start3A_93, %dma_start3A_94] : memref<10240x8xf32, #tpu.memory_space<vmem_shared>> -> memref<10240x8xf32, #tpu.memory_space<vmem_shared>>
      tpu.enqueue_indirect_dma source(%dma_start3A_95 : memref<10240x8xf32, #tpu.memory_space<vmem_shared>>) target(%dma_start3A_91 : memref<128x8xf32, #tpu.memory_space<vmem>>) offsets(%dma_start3A_92 : memref<128xi32, #tpu.memory_space<vmem>>) semaphore(%arg11 : memref<!tpu.dma_semaphore, #tpu.memory_space<semaphore_mem>>)
      %add3A_96 = arith.constant 896 : i32
      %add3A_97 = arith.addi %mul3A_19, %add3A_96 : i32
      %dma_start3A_98 = arith.constant 7 : i32
      %dma_start3A_99 = arith.constant 0 : i32
      %dma_start3A_100 = arith.constant 0 : i32
      %dma_start3A_101 = tpu.memref_slice %arg8[%dma_start3A_98, %dma_start3A_99, %dma_start3A_100] : memref<8x128x8xf32, #tpu.memory_space<vmem>> -> memref<1x128x8xf32, #tpu.memory_space<vmem>>
      %dma_start3A_102 = tpu.memref_squeeze %dma_start3A_101 : memref<1x128x8xf32, #tpu.memory_space<vmem>> -> memref<128x8xf32, #tpu.memory_space<vmem>>
      %dma_start3A_103 = tpu.memref_slice %arg6[%add3A_97] : memref<10240xi32, #tpu.memory_space<vmem>> -> memref<128xi32, #tpu.memory_space<vmem>>
      %dma_start3A_104 = arith.constant 0 : i32
      %dma_start3A_105 = arith.constant 0 : i32
      %dma_start3A_106 = tpu.memref_slice %arg10[%dma_start3A_104, %dma_start3A_105] : memref<10240x8xf32, #tpu.memory_space<vmem_shared>> -> memref<10240x8xf32, #tpu.memory_space<vmem_shared>>
      tpu.enqueue_indirect_dma source(%dma_start3A_106 : memref<10240x8xf32, #tpu.memory_space<vmem_shared>>) target(%dma_start3A_102 : memref<128x8xf32, #tpu.memory_space<vmem>>) offsets(%dma_start3A_103 : memref<128xi32, #tpu.memory_space<vmem>>) semaphore(%arg11 : memref<!tpu.dma_semaphore, #tpu.memory_space<semaphore_mem>>)
      %dma_wait3A = arith.constant 0 : i32
      %dma_wait3A_107 = arith.constant 0 : i32
      %dma_wait3A_108 = arith.constant 0 : i32
      %dma_wait3A_109 = tpu.memref_slice %arg8[%dma_wait3A, %dma_wait3A_107, %dma_wait3A_108] : memref<8x128x8xf32, #tpu.memory_space<vmem>> -> memref<1x128x8xf32, #tpu.memory_space<vmem>>
      %dma_wait3A_110 = tpu.memref_squeeze %dma_wait3A_109 : memref<1x128x8xf32, #tpu.memory_space<vmem>> -> memref<128x8xf32, #tpu.memory_space<vmem>>
      %dma_wait3A_111 = tpu.memref_slice %arg6[%add3A_21] : memref<10240xi32, #tpu.memory_space<vmem>> -> memref<128xi32, #tpu.memory_space<vmem>>
      %dma_wait3A_112 = arith.constant 0 : i32
      %dma_wait3A_113 = arith.constant 0 : i32
      %dma_wait3A_114 = tpu.memref_slice %arg10[%dma_wait3A_112, %dma_wait3A_113] : memref<10240x8xf32, #tpu.memory_space<vmem_shared>> -> memref<10240x8xf32, #tpu.memory_space<vmem_shared>>
      tpu.wait_indirect_dma semaphore(%arg11 : memref<!tpu.dma_semaphore, #tpu.memory_space<semaphore_mem>>) src(%dma_wait3A_114 : memref<10240x8xf32, #tpu.memory_space<vmem_shared>>) dst(%dma_wait3A_110 : memref<128x8xf32, #tpu.memory_space<vmem>>)
      %dma_wait3A_115 = arith.constant 1 : i32
      %dma_wait3A_116 = arith.constant 0 : i32
      %dma_wait3A_117 = arith.constant 0 : i32
      %dma_wait3A_118 = tpu.memref_slice %arg8[%dma_wait3A_115, %dma_wait3A_116, %dma_wait3A_117] : memref<8x128x8xf32, #tpu.memory_space<vmem>> -> memref<1x128x8xf32, #tpu.memory_space<vmem>>
      %dma_wait3A_119 = tpu.memref_squeeze %dma_wait3A_118 : memref<1x128x8xf32, #tpu.memory_space<vmem>> -> memref<128x8xf32, #tpu.memory_space<vmem>>
      %dma_wait3A_120 = tpu.memref_slice %arg6[%add3A_31] : memref<10240xi32, #tpu.memory_space<vmem>> -> memref<128xi32, #tpu.memory_space<vmem>>
      %dma_wait3A_121 = arith.constant 0 : i32
      %dma_wait3A_122 = arith.constant 0 : i32
      %dma_wait3A_123 = tpu.memref_slice %arg10[%dma_wait3A_121, %dma_wait3A_122] : memref<10240x8xf32, #tpu.memory_space<vmem_shared>> -> memref<10240x8xf32, #tpu.memory_space<vmem_shared>>
      tpu.wait_indirect_dma semaphore(%arg11 : memref<!tpu.dma_semaphore, #tpu.memory_space<semaphore_mem>>) src(%dma_wait3A_123 : memref<10240x8xf32, #tpu.memory_space<vmem_shared>>) dst(%dma_wait3A_119 : memref<128x8xf32, #tpu.memory_space<vmem>>)
      %dma_wait3A_124 = arith.constant 2 : i32
      %dma_wait3A_125 = arith.constant 0 : i32
      %dma_wait3A_126 = arith.constant 0 : i32
      %dma_wait3A_127 = tpu.memref_slice %arg8[%dma_wait3A_124, %dma_wait3A_125, %dma_wait3A_126] : memref<8x128x8xf32, #tpu.memory_space<vmem>> -> memref<1x128x8xf32, #tpu.memory_space<vmem>>
      %dma_wait3A_128 = tpu.memref_squeeze %dma_wait3A_127 : memref<1x128x8xf32, #tpu.memory_space<vmem>> -> memref<128x8xf32, #tpu.memory_space<vmem>>
      %dma_wait3A_129 = tpu.memref_slice %arg6[%add3A_42] : memref<10240xi32, #tpu.memory_space<vmem>> -> memref<128xi32, #tpu.memory_space<vmem>>
      %dma_wait3A_130 = arith.constant 0 : i32
      %dma_wait3A_131 = arith.constant 0 : i32
      %dma_wait3A_132 = tpu.memref_slice %arg10[%dma_wait3A_130, %dma_wait3A_131] : memref<10240x8xf32, #tpu.memory_space<vmem_shared>> -> memref<10240x8xf32, #tpu.memory_space<vmem_shared>>
      tpu.wait_indirect_dma semaphore(%arg11 : memref<!tpu.dma_semaphore, #tpu.memory_space<semaphore_mem>>) src(%dma_wait3A_132 : memref<10240x8xf32, #tpu.memory_space<vmem_shared>>) dst(%dma_wait3A_128 : memref<128x8xf32, #tpu.memory_space<vmem>>)
      %dma_wait3A_133 = arith.constant 3 : i32
      %dma_wait3A_134 = arith.constant 0 : i32
      %dma_wait3A_135 = arith.constant 0 : i32
      %dma_wait3A_136 = tpu.memref_slice %arg8[%dma_wait3A_133, %dma_wait3A_134, %dma_wait3A_135] : memref<8x128x8xf32, #tpu.memory_space<vmem>> -> memref<1x128x8xf32, #tpu.memory_space<vmem>>
      %dma_wait3A_137 = tpu.memref_squeeze %dma_wait3A_136 : memref<1x128x8xf32, #tpu.memory_space<vmem>> -> memref<128x8xf32, #tpu.memory_space<vmem>>
      %dma_wait3A_138 = tpu.memref_slice %arg6[%add3A_53] : memref<10240xi32, #tpu.memory_space<vmem>> -> memref<128xi32, #tpu.memory_space<vmem>>
      %dma_wait3A_139 = arith.constant 0 : i32
      %dma_wait3A_140 = arith.constant 0 : i32
      %dma_wait3A_141 = tpu.memref_slice %arg10[%dma_wait3A_139, %dma_wait3A_140] : memref<10240x8xf32, #tpu.memory_space<vmem_shared>> -> memref<10240x8xf32, #tpu.memory_space<vmem_shared>>
      tpu.wait_indirect_dma semaphore(%arg11 : memref<!tpu.dma_semaphore, #tpu.memory_space<semaphore_mem>>) src(%dma_wait3A_141 : memref<10240x8xf32, #tpu.memory_space<vmem_shared>>) dst(%dma_wait3A_137 : memref<128x8xf32, #tpu.memory_space<vmem>>)
      %dma_wait3A_142 = arith.constant 4 : i32
      %dma_wait3A_143 = arith.constant 0 : i32
      %dma_wait3A_144 = arith.constant 0 : i32
      %dma_wait3A_145 = tpu.memref_slice %arg8[%dma_wait3A_142, %dma_wait3A_143, %dma_wait3A_144] : memref<8x128x8xf32, #tpu.memory_space<vmem>> -> memref<1x128x8xf32, #tpu.memory_space<vmem>>
      %dma_wait3A_146 = tpu.memref_squeeze %dma_wait3A_145 : memref<1x128x8xf32, #tpu.memory_space<vmem>> -> memref<128x8xf32, #tpu.memory_space<vmem>>
      %dma_wait3A_147 = tpu.memref_slice %arg6[%add3A_64] : memref<10240xi32, #tpu.memory_space<vmem>> -> memref<128xi32, #tpu.memory_space<vmem>>
      %dma_wait3A_148 = arith.constant 0 : i32
      %dma_wait3A_149 = arith.constant 0 : i32
      %dma_wait3A_150 = tpu.memref_slice %arg10[%dma_wait3A_148, %dma_wait3A_149] : memref<10240x8xf32, #tpu.memory_space<vmem_shared>> -> memref<10240x8xf32, #tpu.memory_space<vmem_shared>>
      tpu.wait_indirect_dma semaphore(%arg11 : memref<!tpu.dma_semaphore, #tpu.memory_space<semaphore_mem>>) src(%dma_wait3A_150 : memref<10240x8xf32, #tpu.memory_space<vmem_shared>>) dst(%dma_wait3A_146 : memref<128x8xf32, #tpu.memory_space<vmem>>)
      %dma_wait3A_151 = arith.constant 5 : i32
      %dma_wait3A_152 = arith.constant 0 : i32
      %dma_wait3A_153 = arith.constant 0 : i32
      %dma_wait3A_154 = tpu.memref_slice %arg8[%dma_wait3A_151, %dma_wait3A_152, %dma_wait3A_153] : memref<8x128x8xf32, #tpu.memory_space<vmem>> -> memref<1x128x8xf32, #tpu.memory_space<vmem>>
      %dma_wait3A_155 = tpu.memref_squeeze %dma_wait3A_154 : memref<1x128x8xf32, #tpu.memory_space<vmem>> -> memref<128x8xf32, #tpu.memory_space<vmem>>
      %dma_wait3A_156 = tpu.memref_slice %arg6[%add3A_75] : memref<10240xi32, #tpu.memory_space<vmem>> -> memref<128xi32, #tpu.memory_space<vmem>>
      %dma_wait3A_157 = arith.constant 0 : i32
      %dma_wait3A_158 = arith.constant 0 : i32
      %dma_wait3A_159 = tpu.memref_slice %arg10[%dma_wait3A_157, %dma_wait3A_158] : memref<10240x8xf32, #tpu.memory_space<vmem_shared>> -> memref<10240x8xf32, #tpu.memory_space<vmem_shared>>
      tpu.wait_indirect_dma semaphore(%arg11 : memref<!tpu.dma_semaphore, #tpu.memory_space<semaphore_mem>>) src(%dma_wait3A_159 : memref<10240x8xf32, #tpu.memory_space<vmem_shared>>) dst(%dma_wait3A_155 : memref<128x8xf32, #tpu.memory_space<vmem>>)
      %dma_wait3A_160 = arith.constant 6 : i32
      %dma_wait3A_161 = arith.constant 0 : i32
      %dma_wait3A_162 = arith.constant 0 : i32
      %dma_wait3A_163 = tpu.memref_slice %arg8[%dma_wait3A_160, %dma_wait3A_161, %dma_wait3A_162] : memref<8x128x8xf32, #tpu.memory_space<vmem>> -> memref<1x128x8xf32, #tpu.memory_space<vmem>>
      %dma_wait3A_164 = tpu.memref_squeeze %dma_wait3A_163 : memref<1x128x8xf32, #tpu.memory_space<vmem>> -> memref<128x8xf32, #tpu.memory_space<vmem>>
      %dma_wait3A_165 = tpu.memref_slice %arg6[%add3A_86] : memref<10240xi32, #tpu.memory_space<vmem>> -> memref<128xi32, #tpu.memory_space<vmem>>
      %dma_wait3A_166 = arith.constant 0 : i32
      %dma_wait3A_167 = arith.constant 0 : i32
      %dma_wait3A_168 = tpu.memref_slice %arg10[%dma_wait3A_166, %dma_wait3A_167] : memref<10240x8xf32, #tpu.memory_space<vmem_shared>> -> memref<10240x8xf32, #tpu.memory_space<vmem_shared>>
      tpu.wait_indirect_dma semaphore(%arg11 : memref<!tpu.dma_semaphore, #tpu.memory_space<semaphore_mem>>) src(%dma_wait3A_168 : memref<10240x8xf32, #tpu.memory_space<vmem_shared>>) dst(%dma_wait3A_164 : memref<128x8xf32, #tpu.memory_space<vmem>>)
      %dma_wait3A_169 = arith.constant 7 : i32
      %dma_wait3A_170 = arith.constant 0 : i32
      %dma_wait3A_171 = arith.constant 0 : i32
      %dma_wait3A_172 = tpu.memref_slice %arg8[%dma_wait3A_169, %dma_wait3A_170, %dma_wait3A_171] : memref<8x128x8xf32, #tpu.memory_space<vmem>> -> memref<1x128x8xf32, #tpu.memory_space<vmem>>
      %dma_wait3A_173 = tpu.memref_squeeze %dma_wait3A_172 : memref<1x128x8xf32, #tpu.memory_space<vmem>> -> memref<128x8xf32, #tpu.memory_space<vmem>>
      %dma_wait3A_174 = tpu.memref_slice %arg6[%add3A_97] : memref<10240xi32, #tpu.memory_space<vmem>> -> memref<128xi32, #tpu.memory_space<vmem>>
      %dma_wait3A_175 = arith.constant 0 : i32
      %dma_wait3A_176 = arith.constant 0 : i32
      %dma_wait3A_177 = tpu.memref_slice %arg10[%dma_wait3A_175, %dma_wait3A_176] : memref<10240x8xf32, #tpu.memory_space<vmem_shared>> -> memref<10240x8xf32, #tpu.memory_space<vmem_shared>>
      tpu.wait_indirect_dma semaphore(%arg11 : memref<!tpu.dma_semaphore, #tpu.memory_space<semaphore_mem>>) src(%dma_wait3A_177 : memref<10240x8xf32, #tpu.memory_space<vmem_shared>>) dst(%dma_wait3A_173 : memref<128x8xf32, #tpu.memory_space<vmem>>)
      %add3A_178 = arith.constant 0 : i32
      %add3A_179 = arith.addi %mul3A_19, %add3A_178 : i32
      %dma_start3A_180 = arith.constant 0 : i32
      %dma_start3A_181 = arith.constant 0 : i32
      %dma_start3A_182 = arith.constant 0 : i32
      %dma_start3A_183 = tpu.memref_slice %arg8[%dma_start3A_180, %dma_start3A_181, %dma_start3A_182] : memref<8x128x8xf32, #tpu.memory_space<vmem>> -> memref<1x128x8xf32, #tpu.memory_space<vmem>>
      %dma_start3A_184 = tpu.memref_squeeze %dma_start3A_183 : memref<1x128x8xf32, #tpu.memory_space<vmem>> -> memref<128x8xf32, #tpu.memory_space<vmem>>
      %dma_start3A_185 = tpu.memref_slice %arg7[%add3A_179] : memref<10240xi32, #tpu.memory_space<vmem>> -> memref<128xi32, #tpu.memory_space<vmem>>
      %dma_start3A_186 = arith.constant 0 : i32
      %dma_start3A_187 = arith.constant 0 : i32
      %dma_start3A_188 = tpu.memref_slice %arg9[%dma_start3A_186, %dma_start3A_187] : memref<10240x8xf32, #tpu.memory_space<vmem_shared>> -> memref<10240x8xf32, #tpu.memory_space<vmem_shared>>
      tpu.enqueue_indirect_dma source(%dma_start3A_184 : memref<128x8xf32, #tpu.memory_space<vmem>>) target(%dma_start3A_188 : memref<10240x8xf32, #tpu.memory_space<vmem_shared>>) offsets(%dma_start3A_185 : memref<128xi32, #tpu.memory_space<vmem>>) semaphore(%arg12 : memref<!tpu.dma_semaphore, #tpu.memory_space<semaphore_mem>>) {add = true}
      %add3A_189 = arith.constant 128 : i32
      %add3A_190 = arith.addi %mul3A_19, %add3A_189 : i32
      %dma_start3A_191 = arith.constant 1 : i32
      %dma_start3A_192 = arith.constant 0 : i32
      %dma_start3A_193 = arith.constant 0 : i32
      %dma_start3A_194 = tpu.memref_slice %arg8[%dma_start3A_191, %dma_start3A_192, %dma_start3A_193] : memref<8x128x8xf32, #tpu.memory_space<vmem>> -> memref<1x128x8xf32, #tpu.memory_space<vmem>>
      %dma_start3A_195 = tpu.memref_squeeze %dma_start3A_194 : memref<1x128x8xf32, #tpu.memory_space<vmem>> -> memref<128x8xf32, #tpu.memory_space<vmem>>
      %dma_start3A_196 = tpu.memref_slice %arg7[%add3A_190] : memref<10240xi32, #tpu.memory_space<vmem>> -> memref<128xi32, #tpu.memory_space<vmem>>
      %dma_start3A_197 = arith.constant 0 : i32
      %dma_start3A_198 = arith.constant 0 : i32
      %dma_start3A_199 = tpu.memref_slice %arg9[%dma_start3A_197, %dma_start3A_198] : memref<10240x8xf32, #tpu.memory_space<vmem_shared>> -> memref<10240x8xf32, #tpu.memory_space<vmem_shared>>
      tpu.enqueue_indirect_dma source(%dma_start3A_195 : memref<128x8xf32, #tpu.memory_space<vmem>>) target(%dma_start3A_199 : memref<10240x8xf32, #tpu.memory_space<vmem_shared>>) offsets(%dma_start3A_196 : memref<128xi32, #tpu.memory_space<vmem>>) semaphore(%arg12 : memref<!tpu.dma_semaphore, #tpu.memory_space<semaphore_mem>>) {add = true}
      %add3A_200 = arith.constant 256 : i32
      %add3A_201 = arith.addi %mul3A_19, %add3A_200 : i32
      %dma_start3A_202 = arith.constant 2 : i32
      %dma_start3A_203 = arith.constant 0 : i32
      %dma_start3A_204 = arith.constant 0 : i32
      %dma_start3A_205 = tpu.memref_slice %arg8[%dma_start3A_202, %dma_start3A_203, %dma_start3A_204] : memref<8x128x8xf32, #tpu.memory_space<vmem>> -> memref<1x128x8xf32, #tpu.memory_space<vmem>>
      %dma_start3A_206 = tpu.memref_squeeze %dma_start3A_205 : memref<1x128x8xf32, #tpu.memory_space<vmem>> -> memref<128x8xf32, #tpu.memory_space<vmem>>
      %dma_start3A_207 = tpu.memref_slice %arg7[%add3A_201] : memref<10240xi32, #tpu.memory_space<vmem>> -> memref<128xi32, #tpu.memory_space<vmem>>
      %dma_start3A_208 = arith.constant 0 : i32
      %dma_start3A_209 = arith.constant 0 : i32
      %dma_start3A_210 = tpu.memref_slice %arg9[%dma_start3A_208, %dma_start3A_209] : memref<10240x8xf32, #tpu.memory_space<vmem_shared>> -> memref<10240x8xf32, #tpu.memory_space<vmem_shared>>
      tpu.enqueue_indirect_dma source(%dma_start3A_206 : memref<128x8xf32, #tpu.memory_space<vmem>>) target(%dma_start3A_210 : memref<10240x8xf32, #tpu.memory_space<vmem_shared>>) offsets(%dma_start3A_207 : memref<128xi32, #tpu.memory_space<vmem>>) semaphore(%arg12 : memref<!tpu.dma_semaphore, #tpu.memory_space<semaphore_mem>>) {add = true}
      %add3A_211 = arith.constant 384 : i32
      %add3A_212 = arith.addi %mul3A_19, %add3A_211 : i32
      %dma_start3A_213 = arith.constant 3 : i32
      %dma_start3A_214 = arith.constant 0 : i32
      %dma_start3A_215 = arith.constant 0 : i32
      %dma_start3A_216 = tpu.memref_slice %arg8[%dma_start3A_213, %dma_start3A_214, %dma_start3A_215] : memref<8x128x8xf32, #tpu.memory_space<vmem>> -> memref<1x128x8xf32, #tpu.memory_space<vmem>>
      %dma_start3A_217 = tpu.memref_squeeze %dma_start3A_216 : memref<1x128x8xf32, #tpu.memory_space<vmem>> -> memref<128x8xf32, #tpu.memory_space<vmem>>
      %dma_start3A_218 = tpu.memref_slice %arg7[%add3A_212] : memref<10240xi32, #tpu.memory_space<vmem>> -> memref<128xi32, #tpu.memory_space<vmem>>
      %dma_start3A_219 = arith.constant 0 : i32
      %dma_start3A_220 = arith.constant 0 : i32
      %dma_start3A_221 = tpu.memref_slice %arg9[%dma_start3A_219, %dma_start3A_220] : memref<10240x8xf32, #tpu.memory_space<vmem_shared>> -> memref<10240x8xf32, #tpu.memory_space<vmem_shared>>
      tpu.enqueue_indirect_dma source(%dma_start3A_217 : memref<128x8xf32, #tpu.memory_space<vmem>>) target(%dma_start3A_221 : memref<10240x8xf32, #tpu.memory_space<vmem_shared>>) offsets(%dma_start3A_218 : memref<128xi32, #tpu.memory_space<vmem>>) semaphore(%arg12 : memref<!tpu.dma_semaphore, #tpu.memory_space<semaphore_mem>>) {add = true}
      %add3A_222 = arith.constant 512 : i32
      %add3A_223 = arith.addi %mul3A_19, %add3A_222 : i32
      %dma_start3A_224 = arith.constant 4 : i32
      %dma_start3A_225 = arith.constant 0 : i32
      %dma_start3A_226 = arith.constant 0 : i32
      %dma_start3A_227 = tpu.memref_slice %arg8[%dma_start3A_224, %dma_start3A_225, %dma_start3A_226] : memref<8x128x8xf32, #tpu.memory_space<vmem>> -> memref<1x128x8xf32, #tpu.memory_space<vmem>>
      %dma_start3A_228 = tpu.memref_squeeze %dma_start3A_227 : memref<1x128x8xf32, #tpu.memory_space<vmem>> -> memref<128x8xf32, #tpu.memory_space<vmem>>
      %dma_start3A_229 = tpu.memref_slice %arg7[%add3A_223] : memref<10240xi32, #tpu.memory_space<vmem>> -> memref<128xi32, #tpu.memory_space<vmem>>
      %dma_start3A_230 = arith.constant 0 : i32
      %dma_start3A_231 = arith.constant 0 : i32
      %dma_start3A_232 = tpu.memref_slice %arg9[%dma_start3A_230, %dma_start3A_231] : memref<10240x8xf32, #tpu.memory_space<vmem_shared>> -> memref<10240x8xf32, #tpu.memory_space<vmem_shared>>
      tpu.enqueue_indirect_dma source(%dma_start3A_228 : memref<128x8xf32, #tpu.memory_space<vmem>>) target(%dma_start3A_232 : memref<10240x8xf32, #tpu.memory_space<vmem_shared>>) offsets(%dma_start3A_229 : memref<128xi32, #tpu.memory_space<vmem>>) semaphore(%arg12 : memref<!tpu.dma_semaphore, #tpu.memory_space<semaphore_mem>>) {add = true}
      %add3A_233 = arith.constant 640 : i32
      %add3A_234 = arith.addi %mul3A_19, %add3A_233 : i32
      %dma_start3A_235 = arith.constant 5 : i32
      %dma_start3A_236 = arith.constant 0 : i32
      %dma_start3A_237 = arith.constant 0 : i32
      %dma_start3A_238 = tpu.memref_slice %arg8[%dma_start3A_235, %dma_start3A_236, %dma_start3A_237] : memref<8x128x8xf32, #tpu.memory_space<vmem>> -> memref<1x128x8xf32, #tpu.memory_space<vmem>>
      %dma_start3A_239 = tpu.memref_squeeze %dma_start3A_238 : memref<1x128x8xf32, #tpu.memory_space<vmem>> -> memref<128x8xf32, #tpu.memory_space<vmem>>
      %dma_start3A_240 = tpu.memref_slice %arg7[%add3A_234] : memref<10240xi32, #tpu.memory_space<vmem>> -> memref<128xi32, #tpu.memory_space<vmem>>
      %dma_start3A_241 = arith.constant 0 : i32
      %dma_start3A_242 = arith.constant 0 : i32
      %dma_start3A_243 = tpu.memref_slice %arg9[%dma_start3A_241, %dma_start3A_242] : memref<10240x8xf32, #tpu.memory_space<vmem_shared>> -> memref<10240x8xf32, #tpu.memory_space<vmem_shared>>
      tpu.enqueue_indirect_dma source(%dma_start3A_239 : memref<128x8xf32, #tpu.memory_space<vmem>>) target(%dma_start3A_243 : memref<10240x8xf32, #tpu.memory_space<vmem_shared>>) offsets(%dma_start3A_240 : memref<128xi32, #tpu.memory_space<vmem>>) semaphore(%arg12 : memref<!tpu.dma_semaphore, #tpu.memory_space<semaphore_mem>>) {add = true}
      %add3A_244 = arith.constant 768 : i32
      %add3A_245 = arith.addi %mul3A_19, %add3A_244 : i32
      %dma_start3A_246 = arith.constant 6 : i32
      %dma_start3A_247 = arith.constant 0 : i32
      %dma_start3A_248 = arith.constant 0 : i32
      %dma_start3A_249 = tpu.memref_slice %arg8[%dma_start3A_246, %dma_start3A_247, %dma_start3A_248] : memref<8x128x8xf32, #tpu.memory_space<vmem>> -> memref<1x128x8xf32, #tpu.memory_space<vmem>>
      %dma_start3A_250 = tpu.memref_squeeze %dma_start3A_249 : memref<1x128x8xf32, #tpu.memory_space<vmem>> -> memref<128x8xf32, #tpu.memory_space<vmem>>
      %dma_start3A_251 = tpu.memref_slice %arg7[%add3A_245] : memref<10240xi32, #tpu.memory_space<vmem>> -> memref<128xi32, #tpu.memory_space<vmem>>
      %dma_start3A_252 = arith.constant 0 : i32
      %dma_start3A_253 = arith.constant 0 : i32
      %dma_start3A_254 = tpu.memref_slice %arg9[%dma_start3A_252, %dma_start3A_253] : memref<10240x8xf32, #tpu.memory_space<vmem_shared>> -> memref<10240x8xf32, #tpu.memory_space<vmem_shared>>
      tpu.enqueue_indirect_dma source(%dma_start3A_250 : memref<128x8xf32, #tpu.memory_space<vmem>>) target(%dma_start3A_254 : memref<10240x8xf32, #tpu.memory_space<vmem_shared>>) offsets(%dma_start3A_251 : memref<128xi32, #tpu.memory_space<vmem>>) semaphore(%arg12 : memref<!tpu.dma_semaphore, #tpu.memory_space<semaphore_mem>>) {add = true}
      %add3A_255 = arith.constant 896 : i32
      %add3A_256 = arith.addi %mul3A_19, %add3A_255 : i32
      %dma_start3A_257 = arith.constant 7 : i32
      %dma_start3A_258 = arith.constant 0 : i32
      %dma_start3A_259 = arith.constant 0 : i32
      %dma_start3A_260 = tpu.memref_slice %arg8[%dma_start3A_257, %dma_start3A_258, %dma_start3A_259] : memref<8x128x8xf32, #tpu.memory_space<vmem>> -> memref<1x128x8xf32, #tpu.memory_space<vmem>>
      %dma_start3A_261 = tpu.memref_squeeze %dma_start3A_260 : memref<1x128x8xf32, #tpu.memory_space<vmem>> -> memref<128x8xf32, #tpu.memory_space<vmem>>
      %dma_start3A_262 = tpu.memref_slice %arg7[%add3A_256] : memref<10240xi32, #tpu.memory_space<vmem>> -> memref<128xi32, #tpu.memory_space<vmem>>
      %dma_start3A_263 = arith.constant 0 : i32
      %dma_start3A_264 = arith.constant 0 : i32
      %dma_start3A_265 = tpu.memref_slice %arg9[%dma_start3A_263, %dma_start3A_264] : memref<10240x8xf32, #tpu.memory_space<vmem_shared>> -> memref<10240x8xf32, #tpu.memory_space<vmem_shared>>
      tpu.enqueue_indirect_dma source(%dma_start3A_261 : memref<128x8xf32, #tpu.memory_space<vmem>>) target(%dma_start3A_265 : memref<10240x8xf32, #tpu.memory_space<vmem_shared>>) offsets(%dma_start3A_262 : memref<128xi32, #tpu.memory_space<vmem>>) semaphore(%arg12 : memref<!tpu.dma_semaphore, #tpu.memory_space<semaphore_mem>>) {add = true}
      %dma_wait3A_266 = arith.constant 0 : i32
      %dma_wait3A_267 = arith.constant 0 : i32
      %dma_wait3A_268 = arith.constant 0 : i32
      %dma_wait3A_269 = tpu.memref_slice %arg8[%dma_wait3A_266, %dma_wait3A_267, %dma_wait3A_268] : memref<8x128x8xf32, #tpu.memory_space<vmem>> -> memref<1x128x8xf32, #tpu.memory_space<vmem>>
      %dma_wait3A_270 = tpu.memref_squeeze %dma_wait3A_269 : memref<1x128x8xf32, #tpu.memory_space<vmem>> -> memref<128x8xf32, #tpu.memory_space<vmem>>
      %dma_wait3A_271 = tpu.memref_slice %arg7[%add3A_179] : memref<10240xi32, #tpu.memory_space<vmem>> -> memref<128xi32, #tpu.memory_space<vmem>>
      %dma_wait3A_272 = arith.constant 0 : i32
      %dma_wait3A_273 = arith.constant 0 : i32
      %dma_wait3A_274 = tpu.memref_slice %arg9[%dma_wait3A_272, %dma_wait3A_273] : memref<10240x8xf32, #tpu.memory_space<vmem_shared>> -> memref<10240x8xf32, #tpu.memory_space<vmem_shared>>
      tpu.wait_indirect_dma semaphore(%arg12 : memref<!tpu.dma_semaphore, #tpu.memory_space<semaphore_mem>>) src(%dma_wait3A_270 : memref<128x8xf32, #tpu.memory_space<vmem>>) dst(%dma_wait3A_274 : memref<10240x8xf32, #tpu.memory_space<vmem_shared>>)
      %dma_wait3A_275 = arith.constant 1 : i32
      %dma_wait3A_276 = arith.constant 0 : i32
      %dma_wait3A_277 = arith.constant 0 : i32
      %dma_wait3A_278 = tpu.memref_slice %arg8[%dma_wait3A_275, %dma_wait3A_276, %dma_wait3A_277] : memref<8x128x8xf32, #tpu.memory_space<vmem>> -> memref<1x128x8xf32, #tpu.memory_space<vmem>>
      %dma_wait3A_279 = tpu.memref_squeeze %dma_wait3A_278 : memref<1x128x8xf32, #tpu.memory_space<vmem>> -> memref<128x8xf32, #tpu.memory_space<vmem>>
      %dma_wait3A_280 = tpu.memref_slice %arg7[%add3A_190] : memref<10240xi32, #tpu.memory_space<vmem>> -> memref<128xi32, #tpu.memory_space<vmem>>
      %dma_wait3A_281 = arith.constant 0 : i32
      %dma_wait3A_282 = arith.constant 0 : i32
      %dma_wait3A_283 = tpu.memref_slice %arg9[%dma_wait3A_281, %dma_wait3A_282] : memref<10240x8xf32, #tpu.memory_space<vmem_shared>> -> memref<10240x8xf32, #tpu.memory_space<vmem_shared>>
      tpu.wait_indirect_dma semaphore(%arg12 : memref<!tpu.dma_semaphore, #tpu.memory_space<semaphore_mem>>) src(%dma_wait3A_279 : memref<128x8xf32, #tpu.memory_space<vmem>>) dst(%dma_wait3A_283 : memref<10240x8xf32, #tpu.memory_space<vmem_shared>>)
      %dma_wait3A_284 = arith.constant 2 : i32
      %dma_wait3A_285 = arith.constant 0 : i32
      %dma_wait3A_286 = arith.constant 0 : i32
      %dma_wait3A_287 = tpu.memref_slice %arg8[%dma_wait3A_284, %dma_wait3A_285, %dma_wait3A_286] : memref<8x128x8xf32, #tpu.memory_space<vmem>> -> memref<1x128x8xf32, #tpu.memory_space<vmem>>
      %dma_wait3A_288 = tpu.memref_squeeze %dma_wait3A_287 : memref<1x128x8xf32, #tpu.memory_space<vmem>> -> memref<128x8xf32, #tpu.memory_space<vmem>>
      %dma_wait3A_289 = tpu.memref_slice %arg7[%add3A_201] : memref<10240xi32, #tpu.memory_space<vmem>> -> memref<128xi32, #tpu.memory_space<vmem>>
      %dma_wait3A_290 = arith.constant 0 : i32
      %dma_wait3A_291 = arith.constant 0 : i32
      %dma_wait3A_292 = tpu.memref_slice %arg9[%dma_wait3A_290, %dma_wait3A_291] : memref<10240x8xf32, #tpu.memory_space<vmem_shared>> -> memref<10240x8xf32, #tpu.memory_space<vmem_shared>>
      tpu.wait_indirect_dma semaphore(%arg12 : memref<!tpu.dma_semaphore, #tpu.memory_space<semaphore_mem>>) src(%dma_wait3A_288 : memref<128x8xf32, #tpu.memory_space<vmem>>) dst(%dma_wait3A_292 : memref<10240x8xf32, #tpu.memory_space<vmem_shared>>)
      %dma_wait3A_293 = arith.constant 3 : i32
      %dma_wait3A_294 = arith.constant 0 : i32
      %dma_wait3A_295 = arith.constant 0 : i32
      %dma_wait3A_296 = tpu.memref_slice %arg8[%dma_wait3A_293, %dma_wait3A_294, %dma_wait3A_295] : memref<8x128x8xf32, #tpu.memory_space<vmem>> -> memref<1x128x8xf32, #tpu.memory_space<vmem>>
      %dma_wait3A_297 = tpu.memref_squeeze %dma_wait3A_296 : memref<1x128x8xf32, #tpu.memory_space<vmem>> -> memref<128x8xf32, #tpu.memory_space<vmem>>
      %dma_wait3A_298 = tpu.memref_slice %arg7[%add3A_212] : memref<10240xi32, #tpu.memory_space<vmem>> -> memref<128xi32, #tpu.memory_space<vmem>>
      %dma_wait3A_299 = arith.constant 0 : i32
      %dma_wait3A_300 = arith.constant 0 : i32
      %dma_wait3A_301 = tpu.memref_slice %arg9[%dma_wait3A_299, %dma_wait3A_300] : memref<10240x8xf32, #tpu.memory_space<vmem_shared>> -> memref<10240x8xf32, #tpu.memory_space<vmem_shared>>
      tpu.wait_indirect_dma semaphore(%arg12 : memref<!tpu.dma_semaphore, #tpu.memory_space<semaphore_mem>>) src(%dma_wait3A_297 : memref<128x8xf32, #tpu.memory_space<vmem>>) dst(%dma_wait3A_301 : memref<10240x8xf32, #tpu.memory_space<vmem_shared>>)
      %dma_wait3A_302 = arith.constant 4 : i32
      %dma_wait3A_303 = arith.constant 0 : i32
      %dma_wait3A_304 = arith.constant 0 : i32
      %dma_wait3A_305 = tpu.memref_slice %arg8[%dma_wait3A_302, %dma_wait3A_303, %dma_wait3A_304] : memref<8x128x8xf32, #tpu.memory_space<vmem>> -> memref<1x128x8xf32, #tpu.memory_space<vmem>>
      %dma_wait3A_306 = tpu.memref_squeeze %dma_wait3A_305 : memref<1x128x8xf32, #tpu.memory_space<vmem>> -> memref<128x8xf32, #tpu.memory_space<vmem>>
      %dma_wait3A_307 = tpu.memref_slice %arg7[%add3A_223] : memref<10240xi32, #tpu.memory_space<vmem>> -> memref<128xi32, #tpu.memory_space<vmem>>
      %dma_wait3A_308 = arith.constant 0 : i32
      %dma_wait3A_309 = arith.constant 0 : i32
      %dma_wait3A_310 = tpu.memref_slice %arg9[%dma_wait3A_308, %dma_wait3A_309] : memref<10240x8xf32, #tpu.memory_space<vmem_shared>> -> memref<10240x8xf32, #tpu.memory_space<vmem_shared>>
      tpu.wait_indirect_dma semaphore(%arg12 : memref<!tpu.dma_semaphore, #tpu.memory_space<semaphore_mem>>) src(%dma_wait3A_306 : memref<128x8xf32, #tpu.memory_space<vmem>>) dst(%dma_wait3A_310 : memref<10240x8xf32, #tpu.memory_space<vmem_shared>>)
      %dma_wait3A_311 = arith.constant 5 : i32
      %dma_wait3A_312 = arith.constant 0 : i32
      %dma_wait3A_313 = arith.constant 0 : i32
      %dma_wait3A_314 = tpu.memref_slice %arg8[%dma_wait3A_311, %dma_wait3A_312, %dma_wait3A_313] : memref<8x128x8xf32, #tpu.memory_space<vmem>> -> memref<1x128x8xf32, #tpu.memory_space<vmem>>
      %dma_wait3A_315 = tpu.memref_squeeze %dma_wait3A_314 : memref<1x128x8xf32, #tpu.memory_space<vmem>> -> memref<128x8xf32, #tpu.memory_space<vmem>>
      %dma_wait3A_316 = tpu.memref_slice %arg7[%add3A_234] : memref<10240xi32, #tpu.memory_space<vmem>> -> memref<128xi32, #tpu.memory_space<vmem>>
      %dma_wait3A_317 = arith.constant 0 : i32
      %dma_wait3A_318 = arith.constant 0 : i32
      %dma_wait3A_319 = tpu.memref_slice %arg9[%dma_wait3A_317, %dma_wait3A_318] : memref<10240x8xf32, #tpu.memory_space<vmem_shared>> -> memref<10240x8xf32, #tpu.memory_space<vmem_shared>>
      tpu.wait_indirect_dma semaphore(%arg12 : memref<!tpu.dma_semaphore, #tpu.memory_space<semaphore_mem>>) src(%dma_wait3A_315 : memref<128x8xf32, #tpu.memory_space<vmem>>) dst(%dma_wait3A_319 : memref<10240x8xf32, #tpu.memory_space<vmem_shared>>)
      %dma_wait3A_320 = arith.constant 6 : i32
      %dma_wait3A_321 = arith.constant 0 : i32
      %dma_wait3A_322 = arith.constant 0 : i32
      %dma_wait3A_323 = tpu.memref_slice %arg8[%dma_wait3A_320, %dma_wait3A_321, %dma_wait3A_322] : memref<8x128x8xf32, #tpu.memory_space<vmem>> -> memref<1x128x8xf32, #tpu.memory_space<vmem>>
      %dma_wait3A_324 = tpu.memref_squeeze %dma_wait3A_323 : memref<1x128x8xf32, #tpu.memory_space<vmem>> -> memref<128x8xf32, #tpu.memory_space<vmem>>
      %dma_wait3A_325 = tpu.memref_slice %arg7[%add3A_245] : memref<10240xi32, #tpu.memory_space<vmem>> -> memref<128xi32, #tpu.memory_space<vmem>>
      %dma_wait3A_326 = arith.constant 0 : i32
      %dma_wait3A_327 = arith.constant 0 : i32
      %dma_wait3A_328 = tpu.memref_slice %arg9[%dma_wait3A_326, %dma_wait3A_327] : memref<10240x8xf32, #tpu.memory_space<vmem_shared>> -> memref<10240x8xf32, #tpu.memory_space<vmem_shared>>
      tpu.wait_indirect_dma semaphore(%arg12 : memref<!tpu.dma_semaphore, #tpu.memory_space<semaphore_mem>>) src(%dma_wait3A_324 : memref<128x8xf32, #tpu.memory_space<vmem>>) dst(%dma_wait3A_328 : memref<10240x8xf32, #tpu.memory_space<vmem_shared>>)
      %dma_wait3A_329 = arith.constant 7 : i32
      %dma_wait3A_330 = arith.constant 0 : i32
      %dma_wait3A_331 = arith.constant 0 : i32
      %dma_wait3A_332 = tpu.memref_slice %arg8[%dma_wait3A_329, %dma_wait3A_330, %dma_wait3A_331] : memref<8x128x8xf32, #tpu.memory_space<vmem>> -> memref<1x128x8xf32, #tpu.memory_space<vmem>>
      %dma_wait3A_333 = tpu.memref_squeeze %dma_wait3A_332 : memref<1x128x8xf32, #tpu.memory_space<vmem>> -> memref<128x8xf32, #tpu.memory_space<vmem>>
      %dma_wait3A_334 = tpu.memref_slice %arg7[%add3A_256] : memref<10240xi32, #tpu.memory_space<vmem>> -> memref<128xi32, #tpu.memory_space<vmem>>
      %dma_wait3A_335 = arith.constant 0 : i32
      %dma_wait3A_336 = arith.constant 0 : i32
      %dma_wait3A_337 = tpu.memref_slice %arg9[%dma_wait3A_335, %dma_wait3A_336] : memref<10240x8xf32, #tpu.memory_space<vmem_shared>> -> memref<10240x8xf32, #tpu.memory_space<vmem_shared>>
      tpu.wait_indirect_dma semaphore(%arg12 : memref<!tpu.dma_semaphore, #tpu.memory_space<semaphore_mem>>) src(%dma_wait3A_333 : memref<128x8xf32, #tpu.memory_space<vmem>>) dst(%dma_wait3A_337 : memref<10240x8xf32, #tpu.memory_space<vmem_shared>>)
    }
    %scan3A_15 = arith.constant 10 : i32
    %barrier3A_16 = arith.constant 0 : index
    tpu.barrier barrier_id(%barrier3A_16)
    "tpu.region"() ({
      %run_scoped3A = tpu.sem_alloc : memref<!tpu.dma_semaphore, #tpu.memory_space<semaphore_mem>>
      %dma_start3A = arith.constant 0 : i32
      %dma_start3A_17 = arith.constant 0 : i32
      %dma_start3A_18 = tpu.memref_slice %arg5[%arg0, %dma_start3A, %dma_start3A_17] : memref<2x10240x8xf32, #tpu.memory_space<hbm>> -> memref<1x10240x8xf32, #tpu.memory_space<hbm>>
      %dma_start3A_19 = tpu.memref_squeeze %dma_start3A_18 : memref<1x10240x8xf32, #tpu.memory_space<hbm>> -> memref<10240x8xf32, #tpu.memory_space<hbm>>
      %dma_start3A_20 = arith.constant 0 : i32
      %dma_start3A_21 = tpu.memref_slice %dma_start3A_19[%mul3A_4, %dma_start3A_20] : memref<10240x8xf32, #tpu.memory_space<hbm>> -> memref<640x8xf32, #tpu.memory_space<hbm>>
      %dma_start3A_22 = arith.constant 0 : i32
      %dma_start3A_23 = tpu.memref_slice %arg9[%mul3A_4, %dma_start3A_22] : memref<10240x8xf32, #tpu.memory_space<vmem_shared>> -> memref<640x8xf32, #tpu.memory_space<vmem_shared>>
      tpu.enqueue_dma source(%dma_start3A_23 : memref<640x8xf32, #tpu.memory_space<vmem_shared>>) target(%dma_start3A_21 : memref<640x8xf32, #tpu.memory_space<hbm>>) target_semaphore(%run_scoped3A : memref<!tpu.dma_semaphore, #tpu.memory_space<semaphore_mem>>)
      %dma_wait3A = arith.constant 0 : i32
      %dma_wait3A_24 = arith.constant 0 : i32
      %dma_wait3A_25 = tpu.memref_slice %arg5[%arg0, %dma_wait3A, %dma_wait3A_24] : memref<2x10240x8xf32, #tpu.memory_space<hbm>> -> memref<1x10240x8xf32, #tpu.memory_space<hbm>>
      %dma_wait3A_26 = tpu.memref_squeeze %dma_wait3A_25 : memref<1x10240x8xf32, #tpu.memory_space<hbm>> -> memref<10240x8xf32, #tpu.memory_space<hbm>>
      %dma_wait3A_27 = arith.constant 0 : i32
      %dma_wait3A_28 = tpu.memref_slice %dma_wait3A_26[%mul3A_4, %dma_wait3A_27] : memref<10240x8xf32, #tpu.memory_space<hbm>> -> memref<640x8xf32, #tpu.memory_space<hbm>>
      %dma_wait3A_29 = arith.constant 0 : i32
      %dma_wait3A_30 = tpu.memref_slice %arg9[%mul3A_4, %dma_wait3A_29] : memref<10240x8xf32, #tpu.memory_space<vmem_shared>> -> memref<640x8xf32, #tpu.memory_space<vmem_shared>>
      tpu.wait_dma2 semaphore(%run_scoped3A : memref<!tpu.dma_semaphore, #tpu.memory_space<semaphore_mem>>) src(%dma_wait3A_30 : memref<640x8xf32, #tpu.memory_space<vmem_shared>>) dst(%dma_wait3A_28 : memref<640x8xf32, #tpu.memory_space<hbm>>)
      tpu.yield
    }) : () -> ()
    return
  }
}

module attributes {stable_mosaic.version = 14 : i64} {
  func.func @body(%arg0: memref<10000x128xf32, #tpu.memory_space<vmem>>, %arg1: memref<128x64xf32, #tpu.memory_space<vmem>>, %arg2: memref<10240x32xf32, #tpu.memory_space<vmem>>, %arg3: memref<10000x32xf32, #tpu.memory_space<vmem>>) attributes {dimension_semantics = [], scalar_prefetch = 0 : i64, scratch_operands = 0 : i64, tpu.core_type = #tpu.core_type<tc>} {
    %get3A = arith.constant 0 : index
    %get3A_0 = arith.constant 0 : index
    %get3A_1 = vector.load %arg0[%get3A, %get3A_0] : memref<10000x128xf32, #tpu.memory_space<vmem>>, vector<10000x128xf32>
    %get3A_2 = arith.constant 0 : index
    %get3A_3 = arith.constant 0 : index
    %get3A_4 = vector.load %arg1[%get3A_2, %get3A_3] : memref<128x64xf32, #tpu.memory_space<vmem>>, vector<128x64xf32>
    %dot_general3A = arith.constant dense<0.000000e+00> : vector<10000x64xf32>
    %dot_general3A_5 = tpu.matmul %get3A_1, %get3A_4, %dot_general3A {dimension_numbers = #tpu.dot_dimension_numbers<[1], [0], [0], [1], [0, 0, 1, 1], [], []>, transpose_lhs_hint = false} : vector<10000x128xf32>, vector<128x64xf32>, vector<10000x64xf32> -> vector<10000x64xf32>
    %slice3A = vector.extract_strided_slice %dot_general3A_5 {offsets = [0, 0], sizes = [10000, 32], strides = [1, 1]} : vector<10000x64xf32> to vector<10000x32xf32>
    %broadcast_in_dim3A = arith.constant 0.000000e+00 : f32
    %broadcast_in_dim3A_6 = vector.broadcast %broadcast_in_dim3A : f32 to vector<240x32xf32>
    %concatenate3A = tpu.concatenate %slice3A, %broadcast_in_dim3A_6 in 0 : vector<10000x32xf32>, vector<240x32xf32> -> vector<10240x32xf32>
    %swap3A = arith.constant 0 : index
    %swap3A_7 = arith.constant 0 : index
    %swap3A_8 = vector.load %arg2[%swap3A, %swap3A_7] : memref<10240x32xf32, #tpu.memory_space<vmem>>, vector<10240x32xf32>
    tpu.vector_store %arg2[%swap3A, %swap3A_7], %concatenate3A {strides = array<i32>} : memref<10240x32xf32, #tpu.memory_space<vmem>>, vector<10240x32xf32>,
    %slice3A_9 = vector.extract_strided_slice %dot_general3A_5 {offsets = [0, 32], sizes = [10000, 32], strides = [1, 1]} : vector<10000x64xf32> to vector<10000x32xf32>
    %swap3A_10 = arith.constant 0 : index
    %swap3A_11 = arith.constant 0 : index
    %swap3A_12 = vector.load %arg3[%swap3A_10, %swap3A_11] : memref<10000x32xf32, #tpu.memory_space<vmem>>, vector<10000x32xf32>
    tpu.vector_store %arg3[%swap3A_10, %swap3A_11], %slice3A_9 {strides = array<i32>} : memref<10000x32xf32, #tpu.memory_space<vmem>>, vector<10000x32xf32>,
    return
  }
}

module attributes {stable_mosaic.version = 14 : i64} {
  func.func @body(%arg0: memref<2x10240x32xf32, #tpu.memory_space<vmem>>, %arg1: memref<2x10240xf32, #tpu.memory_space<vmem>>, %arg2: memref<10000x32xf32, #tpu.memory_space<vmem>>, %arg3: memref<1x32xf32, #tpu.memory_space<vmem>>, %arg4: memref<32x8xf32, #tpu.memory_space<vmem>>, %arg5: memref<1x8xf32, #tpu.memory_space<vmem>>, %arg6: memref<10240x8xf32, #tpu.memory_space<vmem>>, %arg7: memref<10000x1xf32, #tpu.memory_space<vmem>>) attributes {dimension_semantics = [], scalar_prefetch = 0 : i64, scratch_operands = 0 : i64, tpu.core_type = #tpu.core_type<tc>} {
    %get3A = arith.constant 0 : index
    %get3A_0 = arith.constant 0 : index
    %get3A_1 = vector.load %arg1[%get3A, %get3A_0] : memref<2x10240xf32, #tpu.memory_space<vmem>>, vector<1x10240xf32>
    %get3A_2 = vector.shape_cast %get3A_1 : vector<1x10240xf32> to vector<10240xf32>
    %get3A_3 = arith.constant 1 : index
    %get3A_4 = arith.constant 0 : index
    %get3A_5 = vector.load %arg1[%get3A_3, %get3A_4] : memref<2x10240xf32, #tpu.memory_space<vmem>>, vector<1x10240xf32>
    %get3A_6 = vector.shape_cast %get3A_5 : vector<1x10240xf32> to vector<10240xf32>
    %add3A = arith.addf %get3A_2, %get3A_6 : vector<10240xf32>
    %max3A = arith.constant 1.000000e+00 : f32
    %max3A_7 = vector.broadcast %max3A : f32 to vector<10240xf32>
    %max3A_8 = arith.maximumf %add3A, %max3A_7 : vector<10240xf32>
    %div3A = arith.constant 1.000000e+00 : f32
    %div3A_9 = vector.broadcast %div3A : f32 to vector<10240xf32>
    %div3A_10 = arith.divf %div3A_9, %max3A_8 : vector<10240xf32>
    %broadcast_in_dim3A = vector.shape_cast %div3A_10 : vector<10240xf32> to vector<10240x1xf32>
    %get3A_11 = arith.constant 0 : index
    %get3A_12 = arith.constant 0 : index
    %get3A_13 = arith.constant 0 : index
    %get3A_14 = vector.load %arg0[%get3A_11, %get3A_12, %get3A_13] : memref<2x10240x32xf32, #tpu.memory_space<vmem>>, vector<1x10240x32xf32>
    %get3A_15 = vector.shape_cast %get3A_14 : vector<1x10240x32xf32> to vector<10240x32xf32>
    %get3A_16 = arith.constant 1 : index
    %get3A_17 = arith.constant 0 : index
    %get3A_18 = arith.constant 0 : index
    %get3A_19 = vector.load %arg0[%get3A_16, %get3A_17, %get3A_18] : memref<2x10240x32xf32, #tpu.memory_space<vmem>>, vector<1x10240x32xf32>
    %get3A_20 = vector.shape_cast %get3A_19 : vector<1x10240x32xf32> to vector<10240x32xf32>
    %add3A_21 = arith.addf %get3A_15, %get3A_20 : vector<10240x32xf32>
    %mul3A = vector.broadcast %broadcast_in_dim3A : vector<10240x1xf32> to vector<10240x32xf32>
    %mul3A_22 = arith.mulf %add3A_21, %mul3A : vector<10240x32xf32>
    %slice3A = vector.extract_strided_slice %mul3A_22 {offsets = [0, 0], sizes = [10000, 32], strides = [1, 1]} : vector<10240x32xf32> to vector<10000x32xf32>
    %get3A_23 = arith.constant 0 : index
    %get3A_24 = arith.constant 0 : index
    %get3A_25 = vector.load %arg2[%get3A_23, %get3A_24] : memref<10000x32xf32, #tpu.memory_space<vmem>>, vector<10000x32xf32>
    %add3A_26 = arith.addf %slice3A, %get3A_25 : vector<10000x32xf32>
    %get3A_27 = arith.constant 0 : index
    %get3A_28 = arith.constant 0 : index
    %get3A_29 = vector.load %arg3[%get3A_27, %get3A_28] : memref<1x32xf32, #tpu.memory_space<vmem>>, vector<1x32xf32>
    %add3A_30 = vector.broadcast %get3A_29 : vector<1x32xf32> to vector<10000x32xf32>
    %add3A_31 = arith.addf %add3A_26, %add3A_30 : vector<10000x32xf32>
    %max3A_32 = arith.constant 0.000000e+00 : f32
    %max3A_33 = vector.broadcast %max3A_32 : f32 to vector<10000x32xf32>
    %max3A_34 = arith.maximumf %add3A_31, %max3A_33 : vector<10000x32xf32>
    %get3A_35 = arith.constant 0 : index
    %get3A_36 = arith.constant 0 : index
    %get3A_37 = vector.load %arg4[%get3A_35, %get3A_36] : memref<32x8xf32, #tpu.memory_space<vmem>>, vector<32x8xf32>
    %dot_general3A = arith.constant dense<0.000000e+00> : vector<10000x8xf32>
    %dot_general3A_38 = tpu.matmul %max3A_34, %get3A_37, %dot_general3A {dimension_numbers = #tpu.dot_dimension_numbers<[1], [0], [0], [1], [0, 0, 1, 1], [], []>, transpose_lhs_hint = false} : vector<10000x32xf32>, vector<32x8xf32>, vector<10000x8xf32> -> vector<10000x8xf32>
    %get3A_39 = arith.constant 0 : index
    %get3A_40 = arith.constant 0 : index
    %get3A_41 = vector.load %arg5[%get3A_39, %get3A_40] : memref<1x8xf32, #tpu.memory_space<vmem>>, vector<1x8xf32>
    %add3A_42 = vector.broadcast %get3A_41 : vector<1x8xf32> to vector<10000x8xf32>
    %add3A_43 = arith.addf %dot_general3A_38, %add3A_42 : vector<10000x8xf32>
    %broadcast_in_dim3A_44 = arith.constant 0.000000e+00 : f32
    %broadcast_in_dim3A_45 = vector.broadcast %broadcast_in_dim3A_44 : f32 to vector<240x8xf32>
    %concatenate3A = tpu.concatenate %add3A_43, %broadcast_in_dim3A_45 in 0 : vector<10000x8xf32>, vector<240x8xf32> -> vector<10240x8xf32>
    %swap3A = arith.constant 0 : index
    %swap3A_46 = arith.constant 0 : index
    %swap3A_47 = vector.load %arg6[%swap3A, %swap3A_46] : memref<10240x8xf32, #tpu.memory_space<vmem>>, vector<10240x8xf32>
    tpu.vector_store %arg6[%swap3A, %swap3A_46], %concatenate3A {strides = array<i32>} : memref<10240x8xf32, #tpu.memory_space<vmem>>, vector<10240x8xf32>,
    %slice3A_48 = vector.extract_strided_slice %broadcast_in_dim3A {offsets = [0, 0], sizes = [10000, 1], strides = [1, 1]} : vector<10240x1xf32> to vector<10000x1xf32>
    %swap3A_49 = arith.constant 0 : index
    %swap3A_50 = arith.constant 0 : index
    %swap3A_51 = vector.load %arg7[%swap3A_49, %swap3A_50] : memref<10000x1xf32, #tpu.memory_space<vmem>>, vector<10000x1xf32>
    tpu.vector_store %arg7[%swap3A_49, %swap3A_50], %slice3A_48 {strides = array<i32>} : memref<10000x1xf32, #tpu.memory_space<vmem>>, vector<10000x1xf32>,
    return
  }
}

module attributes {stable_mosaic.version = 14 : i64} {
  func.func @body(%arg0: memref<2x10240x8xf32, #tpu.memory_space<vmem>>, %arg1: memref<10240x8xf32, #tpu.memory_space<vmem>>, %arg2: memref<10000x1xf32, #tpu.memory_space<vmem>>, %arg3: memref<10000x2xf32, #tpu.memory_space<vmem>>) attributes {dimension_semantics = [], scalar_prefetch = 0 : i64, scratch_operands = 0 : i64, tpu.core_type = #tpu.core_type<tc>} {
    %get3A = arith.constant 0 : index
    %get3A_0 = arith.constant 0 : index
    %get3A_1 = arith.constant 0 : index
    %get3A_2 = vector.load %arg0[%get3A, %get3A_0, %get3A_1] : memref<2x10240x8xf32, #tpu.memory_space<vmem>>, vector<1x10000x2xf32>
    %get3A_3 = vector.shape_cast %get3A_2 : vector<1x10000x2xf32> to vector<10000x2xf32>
    %get3A_4 = arith.constant 1 : index
    %get3A_5 = arith.constant 0 : index
    %get3A_6 = arith.constant 0 : index
    %get3A_7 = vector.load %arg0[%get3A_4, %get3A_5, %get3A_6] : memref<2x10240x8xf32, #tpu.memory_space<vmem>>, vector<1x10000x2xf32>
    %get3A_8 = vector.shape_cast %get3A_7 : vector<1x10000x2xf32> to vector<10000x2xf32>
    %add3A = arith.addf %get3A_3, %get3A_8 : vector<10000x2xf32>
    %get3A_9 = arith.constant 0 : index
    %get3A_10 = arith.constant 0 : index
    %get3A_11 = vector.load %arg2[%get3A_9, %get3A_10] : memref<10000x1xf32, #tpu.memory_space<vmem>>, vector<10000x1xf32>
    %mul3A = vector.broadcast %get3A_11 : vector<10000x1xf32> to vector<10000x2xf32>
    %mul3A_12 = arith.mulf %add3A, %mul3A : vector<10000x2xf32>
    %get3A_13 = arith.constant 0 : index
    %get3A_14 = arith.constant 2 : index
    %get3A_15 = vector.load %arg1[%get3A_13, %get3A_14] : memref<10240x8xf32, #tpu.memory_space<vmem>>, vector<10000x2xf32>
    %add3A_16 = arith.addf %mul3A_12, %get3A_15 : vector<10000x2xf32>
    %swap3A = arith.constant 0 : index
    %swap3A_17 = arith.constant 0 : index
    %swap3A_18 = vector.load %arg3[%swap3A, %swap3A_17] : memref<10000x2xf32, #tpu.memory_space<vmem>>, vector<10000x2xf32>
    tpu.vector_store %arg3[%swap3A, %swap3A_17], %add3A_16 {strides = array<i32>} : memref<10000x2xf32, #tpu.memory_space<vmem>>, vector<10000x2xf32>,
    return
  }
}

</mosaic_0001>

<sc_bundles>
// kernel: kernel.10.cloned.1.call-start
scs
__scs_entry_jumppad:
0x0: {  	(pc) =	sbr.rel $0x88, $3  }
0x1: {  	(tag) =	ssettag $0x0;
	lr =	simm.s32 $0x1  }
0x2: {  	[smem:$0x3F99] =	sst lr;
	_ =	strace $0xD0000000  }
0x3: {  	_ = 	snop  }
0x4: {  	_ = 	snop  }
0x5: {  	_ = 	snop  }
0x6: {  	_ = 	snop  }
0x7: {  	_ = 	snop  }
__scs_overlays_trampoline_lowered:
0x8: {  	[smem:$0x3FA8] =	sst s0  }
0x9: {  	[smem:$0x3FA9] =	sst s1  }
0xa: {  	[smem:$0x3FAA] =	sst s2  }
0xb: {  	[smem:$0x3FAB] =	sst s3  }
0xc: {  	[smem:$0x3FAC] =	sst s4  }
0xd: {  	[smem:$0x3FAD] =	sst s5  }
0xe: {  	[smem:$0x3FAE] =	sst s6  }
0xf: {  	[smem:$0x3FAF] =	sst s7  }
0x10: {  	[smem:$0x3FB0] =	sst s8  }
0x11: {  	[smem:$0x3FB1] =	sst s9;
	s0 =	simm.s32 @!p0 $0x0  }
0x12: {  	s1 =	sld [smem:$0x3F97];
	s0 =	simm.s32 @p0 $0x1  }
0x13: {  	[smem:$0x3FB2] =	sst s0;
	s0 =	simm.s32 @!p1 $0x0  }
0x14: {  	s2 =	sld [smem:$0x3F96];
	s0 =	simm.s32 @p1 $0x1  }
0x15: {  	[smem:$0x3FB3] =	sst s0;
	s0 =	simm.s32 @!p2 $0x0  }
0x16: {  	s3 =	sld [smem:$0x3FDB];
	s0 =	simm.s32 @p2 $0x1  }
0x17: {  	s4 =	simm.s32 $0x1BF5;
	[smem:$0x3FB5] =	sst s0  }
0x18: {  	s0 =	sld [smem:$0x3F98];
	_ =	swait.ge [sflag:s4], $0x0  }
0x19: {  	s7 =	sld [smem:$0x3F99]  }
0x1a: {  	s8 =	sadd.s32 $0xFFFFE003, lr  }
0x1b: {  	s9 =	sadd.s32 $0xFFFFFEF7, lr;
	s5 =	simm.s32 $0xFFFFFFFF;
	p2 =	slt.u32 s8, $0xFFFFF086  }
0x1c: {  	p1 =	slt.u32 s9, $0xF7A;
	s5 =	simm.s32 @!p2 $0x0  }
0x1d: {  	s5 =	simm.s32 @p1 $0x1;
	p0 =	seq.s32 s7, s2  }
0x1e: {  	s7 =	smul.u32 @!p0 $0xF7A, s2;
	p2 =	seq.s32 @!p0 s5, $0x0  }
0x1f: {  	s9 =	smul.u32 $0xF7A, s1;
	s8 =	simm.s32 @!p0 $0x1BF5;
	p2 =	por !p2, p0  }
0x20: {  	[sflag:s8] =	ssyncset.s32 @!p0 $0xFFFFF086;
	s6 =	sadd.s32 @!p0 s3, s7;
	s7 =	simm.s32 @!p0 $0x108  }
0x21: {  	s3 =	sadd.s32 s3, s9;
	s6 =	sadd.s32 @!p0 $0x88, s6;
	s7 =	simm.s32 @p2 $0x1082  }
0x22: {  	[simem:s7], [sflag:s8] =	dma.local @!p0 [hbm:s6], $0xF7A  }
0x23: {  	s9 =	sor.u32 $0xD0000000, s2;
	s6 =	simm.s32 $0x108;
	_ =	swait.ge @!p0 [sflag:s8], $0x0  }
0x24: {  	s3 =	sadd.s32 $0x88, s3;
	s6 =	simm.s32 @!p1 $0x1082;
	[sflag:s4] =	ssyncset.s32 $0xFFFFF086  }
0x25: {  	[simem:s6], [sflag:s4] =	dma.local [hbm:s3], $0xF7A  }
0x26: {  	[smem:$0x3F99] =	sst s1;
	(tag) =	ssettag s2;
	_ =	strace s9  }
0x27: {  	s1 =	sld [smem:$0x3FA9]  }
0x28: {  	s2 =	sld [smem:$0x3FAA]  }
0x29: {  	s4 =	sld [smem:$0x3FAC]  }
0x2a: {  	p0 =	seq.s32 s5, $0x0;
	s5 =	sld [smem:$0x3FAD]  }
0x2b: {  	s6 =	sld [smem:$0x3FAE]  }
0x2c: {  	s7 =	sld [smem:$0x3FAF]  }
0x2d: {  	s3 =	simm.s32 $0x108;
	s8 =	sld [smem:$0x3FB0]  }
0x2e: {  	s3 =	simm.s32 @!p0 $0x1082;
	s9 =	sld [smem:$0x3FB1]  }
0x2f: {  	lr =	sadd.s32 s0, s3;
	s0 =	sld [smem:$0x3FA8]  }
0x30: {  	s3 =	sld [smem:$0x3FAB]  }
0x31: {  	[smem:$0x3FB4] =	sst s10  }
0x32: {  	s10 =	sld [smem:$0x3FB2];
	_ =	sdelay $0x3  }
0x33: {  	p0 =	seq.s32 s10, $0x1;
	s10 =	sld [smem:$0x3FB4];
	_ =	sdelay $0x3  }
0x34: {  	[smem:$0x3FB4] =	sst s10  }
0x35: {  	s10 =	sld [smem:$0x3FB3];
	_ =	sdelay $0x3  }
0x36: {  	p1 =	seq.s32 s10, $0x1;
	s10 =	sld [smem:$0x3FB4];
	_ =	sdelay $0x3  }
0x37: {  	[smem:$0x3FB4] =	sst s10  }
0x38: {  	s10 =	sld [smem:$0x3FB5]  }
0x39: {  	_ = 	snop;
	(pc) =	sbr.ind lr, $3  }
0x3a: {  	_ = 	snop  }
0x3b: {  	_ = 	snop  }
0x3c: {  	p2 =	seq.s32 s10, $0x1;
	s10 =	sld [smem:$0x3FB4]  }
0x3d: {  	_ =	shalt  }
0x3e: {  	_ =	shalt  }
0x3f: {  	_ =	shalt  }
0x40: {  	_ =	shalt  }
0x41: {  	_ =	shalt  }
0x42: {  	_ =	shalt  }
0x43: {  	_ =	shalt  }
0x44: {  	_ =	shalt  }
0x45: {  	_ =	shalt  }
0x46: {  	_ =	shalt  }
0x47: {  	_ =	shalt  }
0x48: {  	_ =	shalt  }
0x49: {  	_ =	shalt  }
0x4a: {  	_ =	shalt  }
0x4b: {  	_ =	shalt  }
0x4c: {  	_ =	shalt  }
0x4d: {  	_ =	shalt  }
0x4e: {  	_ =	shalt  }
0x4f: {  	_ =	shalt  }
0x50: {  	_ =	shalt  }
0x51: {  	_ =	shalt  }
0x52: {  	_ =	shalt  }
0x53: {  	_ =	shalt  }
0x54: {  	_ =	shalt  }
0x55: {  	_ =	shalt  }
0x56: {  	_ =	shalt  }
0x57: {  	_ =	shalt  }
0x58: {  	_ =	shalt  }
0x59: {  	_ =	shalt  }
0x5a: {  	_ =	shalt  }
0x5b: {  	_ =	shalt  }
0x5c: {  	_ =	shalt  }
0x5d: {  	_ =	shalt  }
0x5e: {  	_ =	shalt  }
0x5f: {  	_ =	shalt  }
0x60: {  	_ =	shalt  }
0x61: {  	_ =	shalt  }
0x62: {  	_ =	shalt  }
0x63: {  	_ =	shalt  }
0x64: {  	_ =	shalt  }
0x65: {  	_ =	shalt  }
0x66: {  	_ =	shalt  }
0x67: {  	_ =	shalt  }
0x68: {  	_ =	shalt  }
0x69: {  	_ =	shalt  }
0x6a: {  	_ =	shalt  }
0x6b: {  	_ =	shalt  }
0x6c: {  	_ =	shalt  }
0x6d: {  	_ =	shalt  }
0x6e: {  	_ =	shalt  }
0x6f: {  	_ =	shalt  }
0x70: {  	_ =	shalt  }
0x71: {  	_ =	shalt  }
0x72: {  	_ =	shalt  }
0x73: {  	_ =	shalt  }
0x74: {  	_ =	shalt  }
0x75: {  	_ =	shalt  }
0x76: {  	_ =	shalt  }
0x77: {  	_ =	shalt  }
0x78: {  	_ =	shalt  }
0x79: {  	_ =	shalt  }
0x7a: {  	_ =	shalt  }
0x7b: {  	_ =	shalt  }
0x7c: {  	_ =	shalt  }
0x7d: {  	_ =	shalt  }
0x7e: {  	_ =	shalt  }
0x7f: {  	_ =	shalt  }
0x80: {  	_ =	shalt  }
0x81: {  	_ =	shalt  }
0x82: {  	_ =	shalt  }
0x83: {  	_ =	shalt  }
0x84: {  	_ =	shalt  }
0x85: {  	_ =	shalt  }
0x86: {  	_ =	shalt  }
0x87: {  	_ =	shalt  }
.Lfunc_end0:
.L_simem_size_0:
called_computation.1_lowered:
.L_overlay_start_0:
0x88: {  	s2 =	sld [smem:$0x3FD9]  }
0x89: {  	s3 =	sld [smem:$0x3FFE];
	_ =	sdelay $0x1  }
0x8a: {  	s1 =	srdreg.scid  }
0x8b: {  	s0 =	sand.u32 $0x1, s1  }
0x8c: {  	s16 =	sshll.u32 s0, $0xA;
	s2 =	sadd.s32 s3, s2  }
0x8d: {  	s2 =	sadd.s32 s2, s16  }
0x8e: {  	[smem:$0x3FC0] =	sst s2  }
0x8f: {  	_ = 	snop  }
0x90: {  	(tm) =	ssettm $0x1  }
0x91: {  	s17 =	sld [smem:$0x3FFB];
	_ =	sdelay $0x3  }
0x92: {  	_ =	strace s17  }
0x93: {  	s2 =	sld [smem:$0x3FFC];
	_ =	sdelay $0x3  }
0x94: {  	_ =	strace s2  }
0x95: {  	s2 =	sld [smem:$0x3FFD];
	_ =	sdelay $0x3  }
0x96: {  	_ =	strace s2  }
0x97: {  	_ =	strace $0x8FFFFFFF  }
0x98: {  	s18 =	sld [smem:$0x3FDB];
	_ =	sdelay $0x1  }
0x99: {  	s19 =	simm.s32 $_scs_section_size  }
0x9a: {  	s4 =	simm.s32 $_size__tile_overlayer_lowered;
	s5 =	simm.s32 $_tile_overlayer_lowered  }
0x9b: {  	s22 =	simm.s32 $0x1BFF;
	s21 =	sshll.u32 s5, $0x1;
	s2 =	sadd.s32 s19, s18  }
0x9c: {  	s6 =	simm.s32 $0x0;
	s20 =	sshll.u32 s4, $0x1;
	s4 =	sadd.s32 s21, s2  }
0x9d: {  	[timem:s6], [sflag:s22] =	dma.local [hbm:s4], s20  }
0x9e: {  	_ =	swait.ge [sflag:s22], s20  }
0x9f: {  	s3 =	ssub.s32 $0x0, s20;
	[sflag:s22] =	ssyncset.done $0x0  }
0xa0: {  	[sflag:s22] =	ssyncadd.s32 s3;
	_ =	sdelay $0x1  }
0xa1: {  	s23 =	simm.s32 $0x1B8B  }
0xa2: {  	_ =	swait.ge [sflag:s23], $0x1  }
0xa3: {  	[sflag:s23] =	ssyncset.done $0x0  }
0xa4: {  	s25 =	simm.s32 $0x1B8E;
	s24 =	sld [smem:$0x3FFE];
	[sflag:s23] =	ssyncadd.s32 $0xFFFFFFFF  }
0xa5: {  	s26 =	simm.s32 $execute0_lowered;
	[smem:$0x3FD2] =	sst s25  }
0xa6: {  	s4 =	sshll.u32 s26, $0x1;
	_ =	strace $0x80000049;
	[dreg:$0x1] =	wrdreg $0xFFFFFFFF  }
0xa7: {  	s28 =	simm.s32 $_size_execute0_lowered;
	s2 =	sadd.s32 s2, s4;
	[dreg:$0x0] =	wrdreg $0x0  }
0xa8: {  	s4 =	sshll.u32 s28, $0x1;
	[dreg:$0x2] =	wrdreg s2  }
0xa9: {  	[dreg:$0x3] =	wrdreg s4  }
0xaa: {  	[dreg:$0x4] =	wrdreg $0xC0  }
0xab: {  	_ =	task [dreg:s6], $0x5FFFF  }
0xac: {  	[dreg:$0x1] =	wrdreg $0xFFFFFFFF  }
0xad: {  	[dreg:$0x0] =	wrdreg $0x60  }
0xae: {  	[dreg:$0x2] =	wrdreg s24  }
0xaf: {  	[dreg:$0x3] =	wrdreg $0x70000  }
0xb0: {  	[dreg:$0x4] =	wrdreg $0x84000  }
0xb1: {  	[dreg:$0x5] =	wrdreg $0x9  }
0xb2: {  	_ =	task.clear_ibuf [dreg:s6], $0x6FFFF;
	_ =	strace $0x90000049  }
0xb3: {  	s29 =	simm.s32 $0x9;
	_ =	strace $0x8000004B  }
0xb4: {  	_ =	swait.ge [sflag:s29], $0x1  }
0xb5: {  	[sflag:s29] =	ssyncadd.s32 $0xFFFFFFFF  }
0xb6: {  	_ =	strace $0x9000004B  }
0xb7: {  	_ =	sfence  }
0xb8: {  	s30 =	sld [smem:$0x0];
	_ =	sdelay $0x2  }
0xb9: {  	s31 =	sshll.u32 s1, $0xD;
	s1 =	sshrl.u32 s1, $0x2  }
0xba: {  	s3 =	sand.u32 $0x4000, s31;
	s1 =	sadd.s32 s1, s30  }
0xbb: {  	s0 =	sor.u32 s3, s0;
	s1 =	sshll.u32 s1, $0x11  }
0xbc: {  	s0 =	sor.u32 s1, s0  }
0xbd: {  	s0 =	sadd.s32 $0x8F2B, s0  }
0xbe: {  	[sflag:s0] =	ssyncadd.remote.s32 $0x1  }
0xbf: {  	_ =	sfence.sel $0xFFFF  }
0xc0: {  	[dreg:$0x0] =	wrdreg $0xFFFFFFFF;
	(pc) =	sbr.abs _section_cstart, $3  }
0xc1: {  	[dreg:$0x1] =	wrdreg $0xFFFFFFFF  }
0xc2: {  	_ =	task.clear_ibuf [dreg:s6], $0x2FFFF;
	_ =	strace $0x9FFFFFFF  }
0xc3: {  	(tm) =	ssettm $0x7FFFFFFF  }
tec
execute0_lowered:
.L_overlay_start_1:
0x0: {  	(tag) =	ssettag $0x1  }
0x1: {  	s0 =	rddreg [dreg:$0x0]  }
0x2: {  	s2 =	rddreg [dreg:$0x1]  }
0x3: {  	s3 =	rddreg [dreg:$0x2];
	s11 =	stileid.u32  }
0x4: {  	s1 =	srdreg.scid;
	s5 =	simm.s32 $0x0;
	s14 =	simm.s32 $0x3  }
0x5: {  	s16 =	simm.s32 $0x2800;
	s17 =	simm.s32 $0x80;
	s18 =	simm.s32 $0x5000  }
0x6: {  	s19 =	simm.s32 $0x5400;
	s20 =	simm.s32 $0x5800;
	s21 =	simm.s32 $0x5C00  }
0x7: {  	s22 =	simm.s32 $0x6000;
	s23 =	simm.s32 $0x6400;
	s28 =	simm.s32 $0x1  }
0x8: {  	s29 =	simm.s32 $0x2;
	s30 =	simm.s32 $0x0;
	s1 =	sand.u32 $0x1, s1  }
0x9: {  	s4 =	sshll.u32 s11, $0x1;
	[smem:$0x7FF] =	sst s5;
	s7 =	smul.u32 $0x1400, s11  }
0xa: {  	s26 =	sshll.u32 s11, $0x6;
	s11 =	sadd.s32 $0x1F740, s0;
	s4 =	sor.u32 s1, s4  }
0xb: {  	_ =	strace $0x8000004A;
	s6 =	smul.u32 $0x2800, s1;
	s1 =	ssub.s32 $0x2, s1  }
0xc: {  	s25 =	smul.u32 $0x2800, s4;
	s24 =	sshrl.u32 s7, $0x3;
	s9 =	sshrl.u32 s1, $0x1  }
0xd: {  	s13 =	sadd.s32 s7, s2;
	s15 =	sadd.s32 s7, s3;
	p0 =	seq.s32 s4, $0x1F  }
0xe: {  	s8 =	sadd.s32 s24, s0;
	s12 =	sadd.s32 s6, s0;
	s1 =	ssub.s32 s1, s9  }
0xf: {  	s6 =	sor.u32 $0x1C03, s26;
	s13 =	sshrl.u32 s13, $0x3;
	s15 =	sshrl.u32 s15, $0x3  }
0x10: {  	s26 =	simm.s32 $0x6C00;
	s5 =	sshrl.u32 s25, $0x3;
	s7 =	sadd.s32 $0x2000, s8  }
0x11: {  	s31 =	sadd.s32 $0x7000, s12;
	s12 =	smax.u32 s1, $0x1;
	s25 =	simm.s32 $0x6800  }
0x12: {  	s10 =	sadd.s32 s5, s0;
	s5 =	sadd.s32 $0x4800, s8;
	s24 =	sadd.s32 s24, s31  }
0x13: {  	v0 =	vlaneseq.u32;
	s8 =	sadd.s32 $0xC000, s10;
	s9 =	sadd.s32 $0x15C40, s10;
	s10 =	sadd.s32 $0x15B00, s0  }
.LBB2_1:
0x14: {  	[spmem:s13], [sflag:s6] =	dma.local [hbm:s5], $0x280  }
0x15: {  	_ =	swait.ge [sflag:s14], $0x280  }
0x16: {  	[sflag:s14] =	ssyncset.done $0x0  }
.Ltmp0:
0x17: {  	[sflag:s14] =	ssyncadd.s32 $0xFFFFFD80;
	(pc) =	sbr.rel @!p0 .LBB2_2-.Ltmp0, $4  }
0x18: {  	[spmem:s15], [sflag:s6] =	dma.local [hbm:s7], $0x280  }
0x19: {  	_ =	swait.ge [sflag:s14], $0x280  }
0x1a: {  	[sflag:s14] =	ssyncset.done $0x0  }
0x1b: {  	s0 =	simm.s32 $0x0;
	[sflag:s14] =	ssyncadd.s32 $0xFFFFFD80  }
0x1c: {  	[tilespmem:s0], [sflag:$0x3] =	stream.linear.gather [hbm4b:s10+s0], $0x2800, $0x38;
	[tilespmem:$0x9800] =	vst v63  }
0x1d: {  	s1 =	smul.u32 $0x8889, s0  }
0x1e: {  	_ =	swait.ge [sflag:s14], $0x2800  }
0x1f: {  	[sflag:s14] =	ssyncset.done $0x0;
	s1 =	sshrl.u32 s1, $0x17  }
0x20: {  	[sflag:s14] =	ssyncadd.s32 $0xFFFFD800;
	s1 =	smul.u32 $0xF0, s1  }
0x21: {  	[tilespmem:s16], [sflag:$0x3] =	stream.linear.gather [hbm4b:s11+s0], $0xA00, $0x38;
	[tilespmem:$0x9800] =	vst v63  }
0x22: {  	s0 =	simm.s32 $0x10;
	s1 =	ssub.s32 $0x0, s1  }
0x23: {  	_ =	swait.ge [sflag:s14], $0xA00;
	s4 =	smul.u32 $0x8889, s0;
	s1 =	sadd.s32 $0x2710, s1  }
0x24: {  	[sflag:s14] =	ssyncset.done $0x0;
	s31 =	sand.u32 $0xFFFF, s1  }
0x25: {  	[sflag:s14] =	ssyncadd.s32 $0xFFFFF600;
	s1 =	simm.s32 $0x3200;
	s4 =	sshrl.u32 s4, $0x17;
	v1 =	vor.u32 s31, v0  }
0x26: {  	s31 =	simm.s32 $0x20;
	s4 =	smul.u32 $0xF0, s4;
	[tilespmem:s1+$0x0] =	vst v1  }
.LBB2_4:
0x27: {  	s16 =	smul.u32 $0x8889, s31;
	p1 =	sne.s32 s31, $0x1DF0  }
.Ltmp1:
0x28: {  	s4 =	ssub.s32 s0, s4;
	s0 =	smov.u32 s31;
	(pc) =	sbr.rel @p1 .LBB2_4-.Ltmp1, $4  }
0x29: {  	s31 =	sadd.s32 $0x10, s31;
	s4 =	sadd.s32 $0x2710, s4  }
0x2a: {  	s4 =	sand.u32 $0xFFFF, s4  }
0x2b: {  	s1 =	sadd.s32 $0x10, s1;
	s16 =	sshrl.u32 s16, $0x17;
	v1 =	vor.u32 s4, v0  }
0x2c: {  	s4 =	smul.u32 $0xF0, s16;
	[tilespmem:s1+$0x0] =	vst v1  }
0x2d: {  	_ = 	snop  }
.Ltmp2:
0x2e: {  	s0 =	ssub.s32 s0, s4;
	(pc) =	sbr.rel .LBB2_6-.Ltmp2, $4  }
0x2f: {  	s0 =	sadd.s32 $0x2710, s0  }
0x30: {  	s0 =	sand.u32 $0xFFFF, s0  }
0x31: {  	s31 =	sadd.s32 $0x10, s1;
	v1 =	vor.u32 s0, v0  }
0x32: {  	s16 =	simm.s32 $0x2800;
	[tilespmem:s31+$0x0] =	vst v1  }
.LBB2_2:
0x33: {  	[tilespmem:s0], [sflag:$0x3] =	stream.linear.gather [hbm4b:s8+s0], $0x2800, $0x38;
	[tilespmem:$0x9800] =	vst v63  }
0x34: {  	_ =	swait.ge [sflag:s14], $0x2800  }
0x35: {  	[sflag:s14] =	ssyncset.done $0x0  }
0x36: {  	[sflag:s14] =	ssyncadd.s32 $0xFFFFD800  }
0x37: {  	[tilespmem:s16], [sflag:$0x3] =	stream.linear.gather [hbm4b:s9+s0], $0x2800, $0x38;
	[tilespmem:$0x9800] =	vst v63  }
0x38: {  	_ =	swait.ge [sflag:s14], $0x2800  }
0x39: {  	[sflag:s14] =	ssyncset.done $0x0  }
0x3a: {  	[sflag:s14] =	ssyncadd.s32 $0xFFFFD800  }
.LBB2_6:
0x3b: {  	[bflag:$0x0] =	sbarrier.arrive $0xFFFF;
	s0 =	simm.s32 $0x0  }
0x3c: {  	[tilespmem:s18], [sflag:$0x1] =	stream.indirect.gather [spmem:s3], $0x8, s0, s17, $0xb8;
	[tilespmem:$0x9800] =	vst v63  }
0x3d: {  	s4 =	simm.s32 $0x80  }
0x3e: {  	[tilespmem:s19], [sflag:$0x1] =	stream.indirect.gather [spmem:s3], $0x8, s4, s17, $0xb8;
	[tilespmem:$0x9800] =	vst v63  }
0x3f: {  	s1 =	simm.s32 $0x100  }
0x40: {  	[tilespmem:s20], [sflag:$0x1] =	stream.indirect.gather [spmem:s3], $0x8, s1, s17, $0xb8;
	[tilespmem:$0x9800] =	vst v63  }
0x41: {  	s4 =	simm.s32 $0x180  }
0x42: {  	[tilespmem:s21], [sflag:$0x1] =	stream.indirect.gather [spmem:s3], $0x8, s4, s17, $0xb8;
	[tilespmem:$0x9800] =	vst v63  }
0x43: {  	s1 =	simm.s32 $0x200  }
0x44: {  	[tilespmem:s22], [sflag:$0x1] =	stream.indirect.gather [spmem:s3], $0x8, s1, s17, $0xb8;
	[tilespmem:$0x9800] =	vst v63  }
0x45: {  	s4 =	simm.s32 $0x280  }
0x46: {  	[tilespmem:s23], [sflag:$0x1] =	stream.indirect.gather [spmem:s3], $0x8, s4, s17, $0xb8;
	[tilespmem:$0x9800] =	vst v63  }
0x47: {  	s1 =	simm.s32 $0x300  }
0x48: {  	[tilespmem:s25], [sflag:$0x1] =	stream.indirect.gather [spmem:s3], $0x8, s1, s17, $0xb8;
	[tilespmem:$0x9800] =	vst v63  }
0x49: {  	s4 =	simm.s32 $0x380  }
0x4a: {  	[tilespmem:s26], [sflag:$0x1] =	stream.indirect.gather [spmem:s3], $0x8, s4, s17, $0xb8;
	[tilespmem:$0x9800] =	vst v63  }
0x4b: {  	_ =	swait.ge [sflag:s28], $0x400  }
0x4c: {  	[sflag:s28] =	ssyncset.done $0x0  }
0x4d: {  	[sflag:s28] =	ssyncadd.s32 $0xFFFFFC00  }
0x4e: {  	_ =	swait.ge [sflag:s28], $0x400  }
0x4f: {  	[sflag:s28] =	ssyncset.done $0x0  }
0x50: {  	[sflag:s28] =	ssyncadd.s32 $0xFFFFFC00  }
0x51: {  	_ =	swait.ge [sflag:s28], $0x400  }
0x52: {  	[sflag:s28] =	ssyncset.done $0x0  }
0x53: {  	[sflag:s28] =	ssyncadd.s32 $0xFFFFFC00  }
0x54: {  	_ =	swait.ge [sflag:s28], $0x400  }
0x55: {  	[sflag:s28] =	ssyncset.done $0x0  }
0x56: {  	[sflag:s28] =	ssyncadd.s32 $0xFFFFFC00  }
0x57: {  	_ =	swait.ge [sflag:s28], $0x400  }
0x58: {  	[sflag:s28] =	ssyncset.done $0x0  }
0x59: {  	[sflag:s28] =	ssyncadd.s32 $0xFFFFFC00  }
0x5a: {  	_ =	swait.ge [sflag:s28], $0x400  }
0x5b: {  	[sflag:s28] =	ssyncset.done $0x0  }
0x5c: {  	[sflag:s28] =	ssyncadd.s32 $0xFFFFFC00  }
0x5d: {  	_ =	swait.ge [sflag:s28], $0x400  }
0x5e: {  	[sflag:s28] =	ssyncset.done $0x0  }
0x5f: {  	[sflag:s28] =	ssyncadd.s32 $0xFFFFFC00  }
0x60: {  	_ =	swait.ge [sflag:s28], $0x400  }
0x61: {  	[sflag:s28] =	ssyncset.done $0x0  }
0x62: {  	s1 =	simm.s32 $0x2800;
	[sflag:s28] =	ssyncadd.s32 $0xFFFFFC00  }
0x63: {  	[spmem:s2] =	stream.indirect.scatter.add.f32 [tilespmem:s18], [sflag:$0x2], $0x8, s1, s17, $0xb8;
	[tilespmem:$0x9800] =	vst v63  }
0x64: {  	s4 =	simm.s32 $0x2880  }
0x65: {  	[spmem:s2] =	stream.indirect.scatter.add.f32 [tilespmem:s19], [sflag:$0x2], $0x8, s4, s17, $0xb8;
	[tilespmem:$0x9800] =	vst v63  }
0x66: {  	s1 =	simm.s32 $0x2900  }
0x67: {  	[spmem:s2] =	stream.indirect.scatter.add.f32 [tilespmem:s20], [sflag:$0x2], $0x8, s1, s17, $0xb8;
	[tilespmem:$0x9800] =	vst v63  }
0x68: {  	s4 =	simm.s32 $0x2980  }
0x69: {  	[spmem:s2] =	stream.indirect.scatter.add.f32 [tilespmem:s21], [sflag:$0x2], $0x8, s4, s17, $0xb8;
	[tilespmem:$0x9800] =	vst v63  }
0x6a: {  	s1 =	simm.s32 $0x2A00  }
0x6b: {  	[spmem:s2] =	stream.indirect.scatter.add.f32 [tilespmem:s22], [sflag:$0x2], $0x8, s1, s17, $0xb8;
	[tilespmem:$0x9800] =	vst v63  }
0x6c: {  	s4 =	simm.s32 $0x2A80  }
0x6d: {  	[spmem:s2] =	stream.indirect.scatter.add.f32 [tilespmem:s23], [sflag:$0x2], $0x8, s4, s17, $0xb8;
	[tilespmem:$0x9800] =	vst v63  }
0x6e: {  	s1 =	simm.s32 $0x2B00  }
0x6f: {  	[spmem:s2] =	stream.indirect.scatter.add.f32 [tilespmem:s25], [sflag:$0x2], $0x8, s1, s17, $0xb8;
	[tilespmem:$0x9800] =	vst v63  }
0x70: {  	s4 =	simm.s32 $0x2B80  }
0x71: {  	[spmem:s2] =	stream.indirect.scatter.add.f32 [tilespmem:s26], [sflag:$0x2], $0x8, s4, s17, $0xb8;
	[tilespmem:$0x9800] =	vst v63  }
0x72: {  	_ =	swait.ge [sflag:s29], $0x400  }
0x73: {  	[sflag:s29] =	ssyncset.done $0x0  }
0x74: {  	[sflag:s29] =	ssyncadd.s32 $0xFFFFFC00  }
0x75: {  	_ =	swait.ge [sflag:s29], $0x400  }
0x76: {  	[sflag:s29] =	ssyncset.done $0x0  }
0x77: {  	[sflag:s29] =	ssyncadd.s32 $0xFFFFFC00  }
0x78: {  	_ =	swait.ge [sflag:s29], $0x400  }
0x79: {  	[sflag:s29] =	ssyncset.done $0x0  }
0x7a: {  	[sflag:s29] =	ssyncadd.s32 $0xFFFFFC00  }
0x7b: {  	_ =	swait.ge [sflag:s29], $0x400  }
0x7c: {  	[sflag:s29] =	ssyncset.done $0x0  }
0x7d: {  	[sflag:s29] =	ssyncadd.s32 $0xFFFFFC00  }
0x7e: {  	_ =	swait.ge [sflag:s29], $0x400  }
0x7f: {  	[sflag:s29] =	ssyncset.done $0x0  }
0x80: {  	[sflag:s29] =	ssyncadd.s32 $0xFFFFFC00  }
0x81: {  	_ =	swait.ge [sflag:s29], $0x400  }
0x82: {  	[sflag:s29] =	ssyncset.done $0x0  }
0x83: {  	[sflag:s29] =	ssyncadd.s32 $0xFFFFFC00  }
0x84: {  	_ =	swait.ge [sflag:s29], $0x400  }
0x85: {  	[sflag:s29] =	ssyncset.done $0x0  }
0x86: {  	[sflag:s29] =	ssyncadd.s32 $0xFFFFFC00  }
0x87: {  	_ =	swait.ge [sflag:s29], $0x400  }
0x88: {  	s31 =	simm.s32 $0x1000;
	s0 =	simm.s32 $0x2000;
	[sflag:s29] =	ssyncset.done $0x0  }
.LBB2_7:
0x89: {  	s1 =	sshra.s32 s31, $0x2  }
0x8a: {  	[sflag:s29] =	ssyncadd.s32 $0xFFFFFC00;
	s31 =	smov.u32 s0;
	s4 =	sadd.s32 $0x1000, s0  }
0x8b: {  	[tilespmem:s18], [sflag:$0x1] =	stream.indirect.gather [spmem:s3], $0x8, s1, s17, $0xb8;
	[tilespmem:$0x9800] =	vst v63  }
0x8c: {  	p1 =	sne.s32 s0, $0x9000;
	s0 =	sadd.s32 $0x80, s1  }
0x8d: {  	[tilespmem:s19], [sflag:$0x1] =	stream.indirect.gather [spmem:s3], $0x8, s0, s17, $0xb8;
	[tilespmem:$0x9800] =	vst v63  }
0x8e: {  	s0 =	sadd.s32 $0x100, s1  }
0x8f: {  	[tilespmem:s20], [sflag:$0x1] =	stream.indirect.gather [spmem:s3], $0x8, s0, s17, $0xb8;
	[tilespmem:$0x9800] =	vst v63  }
0x90: {  	s0 =	sadd.s32 $0x180, s1  }
0x91: {  	[tilespmem:s21], [sflag:$0x1] =	stream.indirect.gather [spmem:s3], $0x8, s0, s17, $0xb8;
	[tilespmem:$0x9800] =	vst v63  }
0x92: {  	s0 =	sadd.s32 $0x200, s1  }
0x93: {  	[tilespmem:s22], [sflag:$0x1] =	stream.indirect.gather [spmem:s3], $0x8, s0, s17, $0xb8;
	[tilespmem:$0x9800] =	vst v63  }
0x94: {  	s0 =	sadd.s32 $0x280, s1  }
0x95: {  	[tilespmem:s23], [sflag:$0x1] =	stream.indirect.gather [spmem:s3], $0x8, s0, s17, $0xb8;
	[tilespmem:$0x9800] =	vst v63  }
0x96: {  	s0 =	sadd.s32 $0x300, s1  }
0x97: {  	[tilespmem:s25], [sflag:$0x1] =	stream.indirect.gather [spmem:s3], $0x8, s0, s17, $0xb8;
	[tilespmem:$0x9800] =	vst v63  }
0x98: {  	s0 =	sadd.s32 $0x380, s1  }
0x99: {  	[tilespmem:s26], [sflag:$0x1] =	stream.indirect.gather [spmem:s3], $0x8, s0, s17, $0xb8;
	[tilespmem:$0x9800] =	vst v63  }
0x9a: {  	_ =	swait.ge [sflag:s28], $0x400  }
0x9b: {  	[sflag:s28] =	ssyncset.done $0x0  }
0x9c: {  	[sflag:s28] =	ssyncadd.s32 $0xFFFFFC00  }
0x9d: {  	_ =	swait.ge [sflag:s28], $0x400  }
0x9e: {  	[sflag:s28] =	ssyncset.done $0x0  }
0x9f: {  	[sflag:s28] =	ssyncadd.s32 $0xFFFFFC00  }
0xa0: {  	_ =	swait.ge [sflag:s28], $0x400  }
0xa1: {  	[sflag:s28] =	ssyncset.done $0x0  }
0xa2: {  	[sflag:s28] =	ssyncadd.s32 $0xFFFFFC00  }
0xa3: {  	_ =	swait.ge [sflag:s28], $0x400  }
0xa4: {  	[sflag:s28] =	ssyncset.done $0x0  }
0xa5: {  	[sflag:s28] =	ssyncadd.s32 $0xFFFFFC00  }
0xa6: {  	_ =	swait.ge [sflag:s28], $0x400  }
0xa7: {  	[sflag:s28] =	ssyncset.done $0x0  }
0xa8: {  	[sflag:s28] =	ssyncadd.s32 $0xFFFFFC00  }
0xa9: {  	_ =	swait.ge [sflag:s28], $0x400  }
0xaa: {  	[sflag:s28] =	ssyncset.done $0x0  }
0xab: {  	[sflag:s28] =	ssyncadd.s32 $0xFFFFFC00  }
0xac: {  	_ =	swait.ge [sflag:s28], $0x400  }
0xad: {  	[sflag:s28] =	ssyncset.done $0x0  }
0xae: {  	[sflag:s28] =	ssyncadd.s32 $0xFFFFFC00  }
0xaf: {  	_ =	swait.ge [sflag:s28], $0x400  }
0xb0: {  	[sflag:s28] =	ssyncset.done $0x0  }
0xb1: {  	s0 =	sadd.s32 $0x2800, s1;
	[sflag:s28] =	ssyncadd.s32 $0xFFFFFC00  }
0xb2: {  	[spmem:s2] =	stream.indirect.scatter.add.f32 [tilespmem:s18], [sflag:$0x2], $0x8, s0, s17, $0xb8;
	[tilespmem:$0x9800] =	vst v63  }
0xb3: {  	s0 =	sadd.s32 $0x2880, s1  }
0xb4: {  	[spmem:s2] =	stream.indirect.scatter.add.f32 [tilespmem:s19], [sflag:$0x2], $0x8, s0, s17, $0xb8;
	[tilespmem:$0x9800] =	vst v63  }
0xb5: {  	s0 =	sadd.s32 $0x2900, s1  }
0xb6: {  	[spmem:s2] =	stream.indirect.scatter.add.f32 [tilespmem:s20], [sflag:$0x2], $0x8, s0, s17, $0xb8;
	[tilespmem:$0x9800] =	vst v63  }
0xb7: {  	s0 =	sadd.s32 $0x2980, s1  }
0xb8: {  	[spmem:s2] =	stream.indirect.scatter.add.f32 [tilespmem:s21], [sflag:$0x2], $0x8, s0, s17, $0xb8;
	[tilespmem:$0x9800] =	vst v63  }
0xb9: {  	s0 =	sadd.s32 $0x2A00, s1  }
0xba: {  	[spmem:s2] =	stream.indirect.scatter.add.f32 [tilespmem:s22], [sflag:$0x2], $0x8, s0, s17, $0xb8;
	[tilespmem:$0x9800] =	vst v63  }
0xbb: {  	s0 =	sadd.s32 $0x2A80, s1  }
0xbc: {  	[spmem:s2] =	stream.indirect.scatter.add.f32 [tilespmem:s23], [sflag:$0x2], $0x8, s0, s17, $0xb8;
	[tilespmem:$0x9800] =	vst v63  }
0xbd: {  	s0 =	sadd.s32 $0x2B00, s1  }
0xbe: {  	[spmem:s2] =	stream.indirect.scatter.add.f32 [tilespmem:s25], [sflag:$0x2], $0x8, s0, s17, $0xb8;
	[tilespmem:$0x9800] =	vst v63  }
0xbf: {  	s0 =	sadd.s32 $0x2B80, s1  }
0xc0: {  	[spmem:s2] =	stream.indirect.scatter.add.f32 [tilespmem:s26], [sflag:$0x2], $0x8, s0, s17, $0xb8;
	[tilespmem:$0x9800] =	vst v63  }
0xc1: {  	_ =	swait.ge [sflag:s29], $0x400  }
0xc2: {  	[sflag:s29] =	ssyncset.done $0x0  }
0xc3: {  	[sflag:s29] =	ssyncadd.s32 $0xFFFFFC00  }
0xc4: {  	_ =	swait.ge [sflag:s29], $0x400  }
0xc5: {  	[sflag:s29] =	ssyncset.done $0x0  }
0xc6: {  	[sflag:s29] =	ssyncadd.s32 $0xFFFFFC00  }
0xc7: {  	_ =	swait.ge [sflag:s29], $0x400  }
0xc8: {  	[sflag:s29] =	ssyncset.done $0x0  }
0xc9: {  	[sflag:s29] =	ssyncadd.s32 $0xFFFFFC00  }
0xca: {  	_ =	swait.ge [sflag:s29], $0x400  }
0xcb: {  	[sflag:s29] =	ssyncset.done $0x0  }
0xcc: {  	[sflag:s29] =	ssyncadd.s32 $0xFFFFFC00  }
0xcd: {  	_ =	swait.ge [sflag:s29], $0x400  }
0xce: {  	[sflag:s29] =	ssyncset.done $0x0  }
0xcf: {  	[sflag:s29] =	ssyncadd.s32 $0xFFFFFC00  }
0xd0: {  	_ =	swait.ge [sflag:s29], $0x400  }
0xd1: {  	[sflag:s29] =	ssyncset.done $0x0  }
0xd2: {  	[sflag:s29] =	ssyncadd.s32 $0xFFFFFC00  }
.Ltmp3:
0xd3: {  	_ =	swait.ge [sflag:s29], $0x400;
	(pc) =	sbr.rel @p1 .LBB2_7-.Ltmp3, $4  }
0xd4: {  	[sflag:s29] =	ssyncset.done $0x0  }
0xd5: {  	[sflag:s29] =	ssyncadd.s32 $0xFFFFFC00  }
0xd6: {  	_ =	swait.ge [sflag:s29], $0x400  }
0xd7: {  	s0 =	smov.u32 s4;
	[sflag:s29] =	ssyncset.done $0x0  }
0xd8: {  	s0 =	sshra.s32 s31, $0x2;
	[sflag:s29] =	ssyncadd.s32 $0xFFFFFC00  }
0xd9: {  	[tilespmem:s18], [sflag:$0x1] =	stream.indirect.gather [spmem:s3], $0x8, s0, s17, $0xb8;
	[tilespmem:$0x9800] =	vst v63  }
0xda: {  	s1 =	sadd.s32 $0x80, s0  }
0xdb: {  	[tilespmem:s19], [sflag:$0x1] =	stream.indirect.gather [spmem:s3], $0x8, s1, s17, $0xb8;
	[tilespmem:$0x9800] =	vst v63  }
0xdc: {  	s31 =	sadd.s32 $0x100, s0  }
0xdd: {  	[tilespmem:s20], [sflag:$0x1] =	stream.indirect.gather [spmem:s3], $0x8, s31, s17, $0xb8;
	[tilespmem:$0x9800] =	vst v63  }
0xde: {  	s4 =	sadd.s32 $0x180, s0  }
0xdf: {  	[tilespmem:s21], [sflag:$0x1] =	stream.indirect.gather [spmem:s3], $0x8, s4, s17, $0xb8;
	[tilespmem:$0x9800] =	vst v63  }
0xe0: {  	s31 =	sadd.s32 $0x200, s0  }
0xe1: {  	[tilespmem:s22], [sflag:$0x1] =	stream.indirect.gather [spmem:s3], $0x8, s31, s17, $0xb8;
	[tilespmem:$0x9800] =	vst v63  }
0xe2: {  	s4 =	sadd.s32 $0x280, s0  }
0xe3: {  	[tilespmem:s23], [sflag:$0x1] =	stream.indirect.gather [spmem:s3], $0x8, s4, s17, $0xb8;
	[tilespmem:$0x9800] =	vst v63  }
0xe4: {  	s31 =	sadd.s32 $0x300, s0  }
0xe5: {  	[tilespmem:s25], [sflag:$0x1] =	stream.indirect.gather [spmem:s3], $0x8, s31, s17, $0xb8;
	[tilespmem:$0x9800] =	vst v63  }
0xe6: {  	s4 =	sadd.s32 $0x380, s0  }
0xe7: {  	[tilespmem:s26], [sflag:$0x1] =	stream.indirect.gather [spmem:s3], $0x8, s4, s17, $0xb8;
	[tilespmem:$0x9800] =	vst v63  }
0xe8: {  	_ =	swait.ge [sflag:s28], $0x400  }
0xe9: {  	[sflag:s28] =	ssyncset.done $0x0  }
0xea: {  	[sflag:s28] =	ssyncadd.s32 $0xFFFFFC00  }
0xeb: {  	_ =	swait.ge [sflag:s28], $0x400  }
0xec: {  	[sflag:s28] =	ssyncset.done $0x0  }
0xed: {  	[sflag:s28] =	ssyncadd.s32 $0xFFFFFC00  }
0xee: {  	_ =	swait.ge [sflag:s28], $0x400  }
0xef: {  	[sflag:s28] =	ssyncset.done $0x0  }
0xf0: {  	[sflag:s28] =	ssyncadd.s32 $0xFFFFFC00  }
0xf1: {  	_ =	swait.ge [sflag:s28], $0x400  }
0xf2: {  	[sflag:s28] =	ssyncset.done $0x0  }
0xf3: {  	[sflag:s28] =	ssyncadd.s32 $0xFFFFFC00  }
0xf4: {  	_ =	swait.ge [sflag:s28], $0x400  }
0xf5: {  	[sflag:s28] =	ssyncset.done $0x0  }
0xf6: {  	[sflag:s28] =	ssyncadd.s32 $0xFFFFFC00  }
0xf7: {  	_ =	swait.ge [sflag:s28], $0x400  }
0xf8: {  	[sflag:s28] =	ssyncset.done $0x0  }
0xf9: {  	[sflag:s28] =	ssyncadd.s32 $0xFFFFFC00  }
0xfa: {  	_ =	swait.ge [sflag:s28], $0x400  }
0xfb: {  	[sflag:s28] =	ssyncset.done $0x0  }
0xfc: {  	[sflag:s28] =	ssyncadd.s32 $0xFFFFFC00  }
0xfd: {  	_ =	swait.ge [sflag:s28], $0x400  }
0xfe: {  	[sflag:s28] =	ssyncset.done $0x0  }
0xff: {  	s31 =	sadd.s32 $0x2800, s0;
	[sflag:s28] =	ssyncadd.s32 $0xFFFFFC00  }
0x100: {  	[spmem:s2] =	stream.indirect.scatter.add.f32 [tilespmem:s18], [sflag:$0x2], $0x8, s31, s17, $0xb8;
	[tilespmem:$0x9800] =	vst v63  }
0x101: {  	s4 =	sadd.s32 $0x2880, s0  }
0x102: {  	[spmem:s2] =	stream.indirect.scatter.add.f32 [tilespmem:s19], [sflag:$0x2], $0x8, s4, s17, $0xb8;
	[tilespmem:$0x9800] =	vst v63  }
0x103: {  	s31 =	sadd.s32 $0x2900, s0  }
0x104: {  	[spmem:s2] =	stream.indirect.scatter.add.f32 [tilespmem:s20], [sflag:$0x2], $0x8, s31, s17, $0xb8;
	[tilespmem:$0x9800] =	vst v63  }
0x105: {  	s4 =	sadd.s32 $0x2980, s0  }
0x106: {  	[spmem:s2] =	stream.indirect.scatter.add.f32 [tilespmem:s21], [sflag:$0x2], $0x8, s4, s17, $0xb8;
	[tilespmem:$0x9800] =	vst v63  }
0x107: {  	s31 =	sadd.s32 $0x2A00, s0  }
0x108: {  	[spmem:s2] =	stream.indirect.scatter.add.f32 [tilespmem:s22], [sflag:$0x2], $0x8, s31, s17, $0xb8;
	[tilespmem:$0x9800] =	vst v63  }
0x109: {  	s4 =	sadd.s32 $0x2A80, s0  }
0x10a: {  	[spmem:s2] =	stream.indirect.scatter.add.f32 [tilespmem:s23], [sflag:$0x2], $0x8, s4, s17, $0xb8;
	[tilespmem:$0x9800] =	vst v63  }
0x10b: {  	s31 =	sadd.s32 $0x2B00, s0  }
0x10c: {  	[spmem:s2] =	stream.indirect.scatter.add.f32 [tilespmem:s25], [sflag:$0x2], $0x8, s31, s17, $0xb8;
	[tilespmem:$0x9800] =	vst v63  }
0x10d: {  	s0 =	sadd.s32 $0x2B80, s0  }
0x10e: {  	[spmem:s2] =	stream.indirect.scatter.add.f32 [tilespmem:s26], [sflag:$0x2], $0x8, s0, s17, $0xb8;
	[tilespmem:$0x9800] =	vst v63  }
0x10f: {  	_ =	swait.ge [sflag:s29], $0x400  }
0x110: {  	[sflag:s29] =	ssyncset.done $0x0  }
0x111: {  	[sflag:s29] =	ssyncadd.s32 $0xFFFFFC00  }
0x112: {  	_ =	swait.ge [sflag:s29], $0x400  }
0x113: {  	[sflag:s29] =	ssyncset.done $0x0  }
0x114: {  	[sflag:s29] =	ssyncadd.s32 $0xFFFFFC00  }
0x115: {  	_ =	swait.ge [sflag:s29], $0x400  }
0x116: {  	[sflag:s29] =	ssyncset.done $0x0  }
0x117: {  	[sflag:s29] =	ssyncadd.s32 $0xFFFFFC00  }
0x118: {  	_ =	swait.ge [sflag:s29], $0x400  }
0x119: {  	[sflag:s29] =	ssyncset.done $0x0  }
0x11a: {  	[sflag:s29] =	ssyncadd.s32 $0xFFFFFC00  }
0x11b: {  	_ =	swait.ge [sflag:s29], $0x400  }
0x11c: {  	[sflag:s29] =	ssyncset.done $0x0  }
0x11d: {  	[sflag:s29] =	ssyncadd.s32 $0xFFFFFC00  }
0x11e: {  	_ =	swait.ge [sflag:s29], $0x400  }
0x11f: {  	[sflag:s29] =	ssyncset.done $0x0  }
0x120: {  	[sflag:s29] =	ssyncadd.s32 $0xFFFFFC00  }
0x121: {  	_ =	swait.ge [sflag:s29], $0x400  }
0x122: {  	[sflag:s29] =	ssyncset.done $0x0  }
0x123: {  	[sflag:s29] =	ssyncadd.s32 $0xFFFFFC00  }
0x124: {  	_ =	swait.ge [sflag:s29], $0x400  }
0x125: {  	s30 =	sadd.s32 $0x1, s30;
	[sflag:s29] =	ssyncset.done $0x0  }
0x126: {  	p1 =	sne.s32 s30, s12;
	[sflag:s29] =	ssyncadd.s32 $0xFFFFFC00  }
.Ltmp4:
0x127: {  	[bflag:$0x0] =	sbarrier.arrive $0xFFFF;
	(pc) =	sbr.rel @p1 .LBB2_1-.Ltmp4, $4  }
0x128: {  	[hbm:s24], [sflag:s6] =	dma.local [spmem:s13], $0x280  }
0x129: {  	_ =	swait.ge [sflag:s14], $0x280  }
0x12a: {  	[sflag:s14] =	ssyncset.done $0x0  }
0x12b: {  	[sflag:s14] =	ssyncadd.s32 $0xFFFFFD80  }
0x12c: {  	_ =	sfence.sel $0x180000  }
0x12d: {  	[bflag:$0x0] =	sbarrier.arrive $0xFFFF  }
0x12e: {  	_ =	strace $0x9000004A  }
0x12f: {  	s0 =	stileid.u32;
	[bflag:$0x2] =	sbarrier.arrive $0xFFFF  }
0x130: {  	p0 =	sne.s32 s0, $0x0;
	s0 =	rddreg [dreg:$0x3]  }
0x131: {  	s0 =	sadd.s32 @!p0 $0x100000, s0  }
0x132: {  	[sflag:s0] =	ssyncadd.tile.s32 @!p0 $0x1;
	_ =	shalt  }
.Lfunc_end2:
_tile_overlayer_lowered:
.L_overlay_start_2:
0x133: {  	(tag) =	ssettag $0x2  }
0x134: {  	s0 =	rddreg [dreg:$0x0];
	s2 =	stileid.u32  }
0x135: {  	s1 =	rddreg [dreg:$0x1];
	p0 =	sne.s32 s2, $0x0  }
0x136: {  	s3 =	rddreg [dreg:$0x2];
	[bflag:$0x3] =	sbarrier.arrive $0xFFFF;
	s2 =	simm.s32 @!p0 $0x1C03  }
0x137: {  	[timem:s3], [sflag:s2] =	dma.local @!p0 [hbm:s0], s1  }
0x138: {  	s0 =	simm.s32 @!p0 $0x3  }
0x139: {  	_ =	swait.ge @!p0 [sflag:s0], s1  }
0x13a: {  	s1 =	ssub.s32 @!p0 $0x0, s1;
	[sflag:s0] =	ssyncset.done @!p0 $0x0  }
0x13b: {  	[sflag:s0] =	ssyncadd.s32 @!p0 s1  }
0x13c: {  	[bflag:$0x3] =	sbarrier.arrive $0xFFFF  }
0x13d: {  	_ =	shalt  }

// kernel: kernel.7.cloned.1.call-start
scs
__scs_entry_jumppad:
0x0: {  	(pc) =	sbr.rel $0x88, $3  }
0x1: {  	(tag) =	ssettag $0x0;
	lr =	simm.s32 $0x1  }
0x2: {  	[smem:$0x3F99] =	sst lr;
	_ =	strace $0xD0000000  }
0x3: {  	_ = 	snop  }
0x4: {  	_ = 	snop  }
0x5: {  	_ = 	snop  }
0x6: {  	_ = 	snop  }
0x7: {  	_ = 	snop  }
__scs_overlays_trampoline_lowered:
0x8: {  	[smem:$0x3FA8] =	sst s0  }
0x9: {  	[smem:$0x3FA9] =	sst s1  }
0xa: {  	[smem:$0x3FAA] =	sst s2  }
0xb: {  	[smem:$0x3FAB] =	sst s3  }
0xc: {  	[smem:$0x3FAC] =	sst s4  }
0xd: {  	[smem:$0x3FAD] =	sst s5  }
0xe: {  	[smem:$0x3FAE] =	sst s6  }
0xf: {  	[smem:$0x3FAF] =	sst s7  }
0x10: {  	[smem:$0x3FB0] =	sst s8  }
0x11: {  	[smem:$0x3FB1] =	sst s9;
	s0 =	simm.s32 @!p0 $0x0  }
0x12: {  	s1 =	sld [smem:$0x3F97];
	s0 =	simm.s32 @p0 $0x1  }
0x13: {  	[smem:$0x3FB2] =	sst s0;
	s0 =	simm.s32 @!p1 $0x0  }
0x14: {  	s2 =	sld [smem:$0x3F96];
	s0 =	simm.s32 @p1 $0x1  }
0x15: {  	[smem:$0x3FB3] =	sst s0;
	s0 =	simm.s32 @!p2 $0x0  }
0x16: {  	s3 =	sld [smem:$0x3FDB];
	s0 =	simm.s32 @p2 $0x1  }
0x17: {  	s4 =	simm.s32 $0x1BF5;
	[smem:$0x3FB5] =	sst s0  }
0x18: {  	s0 =	sld [smem:$0x3F98];
	_ =	swait.ge [sflag:s4], $0x0  }
0x19: {  	s7 =	sld [smem:$0x3F99]  }
0x1a: {  	s8 =	sadd.s32 $0xFFFFE003, lr  }
0x1b: {  	s9 =	sadd.s32 $0xFFFFFEF7, lr;
	s5 =	simm.s32 $0xFFFFFFFF;
	p2 =	slt.u32 s8, $0xFFFFF086  }
0x1c: {  	p1 =	slt.u32 s9, $0xF7A;
	s5 =	simm.s32 @!p2 $0x0  }
0x1d: {  	s5 =	simm.s32 @p1 $0x1;
	p0 =	seq.s32 s7, s2  }
0x1e: {  	s7 =	smul.u32 @!p0 $0xF7A, s2;
	p2 =	seq.s32 @!p0 s5, $0x0  }
0x1f: {  	s9 =	smul.u32 $0xF7A, s1;
	s8 =	simm.s32 @!p0 $0x1BF5;
	p2 =	por !p2, p0  }
0x20: {  	[sflag:s8] =	ssyncset.s32 @!p0 $0xFFFFF086;
	s6 =	sadd.s32 @!p0 s3, s7;
	s7 =	simm.s32 @!p0 $0x108  }
0x21: {  	s3 =	sadd.s32 s3, s9;
	s6 =	sadd.s32 @!p0 $0x88, s6;
	s7 =	simm.s32 @p2 $0x1082  }
0x22: {  	[simem:s7], [sflag:s8] =	dma.local @!p0 [hbm:s6], $0xF7A  }
0x23: {  	s9 =	sor.u32 $0xD0000000, s2;
	s6 =	simm.s32 $0x108;
	_ =	swait.ge @!p0 [sflag:s8], $0x0  }
0x24: {  	s3 =	sadd.s32 $0x88, s3;
	s6 =	simm.s32 @!p1 $0x1082;
	[sflag:s4] =	ssyncset.s32 $0xFFFFF086  }
0x25: {  	[simem:s6], [sflag:s4] =	dma.local [hbm:s3], $0xF7A  }
0x26: {  	[smem:$0x3F99] =	sst s1;
	(tag) =	ssettag s2;
	_ =	strace s9  }
0x27: {  	s1 =	sld [smem:$0x3FA9]  }
0x28: {  	s2 =	sld [smem:$0x3FAA]  }
0x29: {  	s4 =	sld [smem:$0x3FAC]  }
0x2a: {  	p0 =	seq.s32 s5, $0x0;
	s5 =	sld [smem:$0x3FAD]  }
0x2b: {  	s6 =	sld [smem:$0x3FAE]  }
0x2c: {  	s7 =	sld [smem:$0x3FAF]  }
0x2d: {  	s3 =	simm.s32 $0x108;
	s8 =	sld [smem:$0x3FB0]  }
0x2e: {  	s3 =	simm.s32 @!p0 $0x1082;
	s9 =	sld [smem:$0x3FB1]  }
0x2f: {  	lr =	sadd.s32 s0, s3;
	s0 =	sld [smem:$0x3FA8]  }
0x30: {  	s3 =	sld [smem:$0x3FAB]  }
0x31: {  	[smem:$0x3FB4] =	sst s10  }
0x32: {  	s10 =	sld [smem:$0x3FB2];
	_ =	sdelay $0x3  }
0x33: {  	p0 =	seq.s32 s10, $0x1;
	s10 =	sld [smem:$0x3FB4];
	_ =	sdelay $0x3  }
0x34: {  	[smem:$0x3FB4] =	sst s10  }
0x35: {  	s10 =	sld [smem:$0x3FB3];
	_ =	sdelay $0x3  }
0x36: {  	p1 =	seq.s32 s10, $0x1;
	s10 =	sld [smem:$0x3FB4];
	_ =	sdelay $0x3  }
0x37: {  	[smem:$0x3FB4] =	sst s10  }
0x38: {  	s10 =	sld [smem:$0x3FB5]  }
0x39: {  	_ = 	snop;
	(pc) =	sbr.ind lr, $3  }
0x3a: {  	_ = 	snop  }
0x3b: {  	_ = 	snop  }
0x3c: {  	p2 =	seq.s32 s10, $0x1;
	s10 =	sld [smem:$0x3FB4]  }
0x3d: {  	_ =	shalt  }
0x3e: {  	_ =	shalt  }
0x3f: {  	_ =	shalt  }
0x40: {  	_ =	shalt  }
0x41: {  	_ =	shalt  }
0x42: {  	_ =	shalt  }
0x43: {  	_ =	shalt  }
0x44: {  	_ =	shalt  }
0x45: {  	_ =	shalt  }
0x46: {  	_ =	shalt  }
0x47: {  	_ =	shalt  }
0x48: {  	_ =	shalt  }
0x49: {  	_ =	shalt  }
0x4a: {  	_ =	shalt  }
0x4b: {  	_ =	shalt  }
0x4c: {  	_ =	shalt  }
0x4d: {  	_ =	shalt  }
0x4e: {  	_ =	shalt  }
0x4f: {  	_ =	shalt  }
0x50: {  	_ =	shalt  }
0x51: {  	_ =	shalt  }
0x52: {  	_ =	shalt  }
0x53: {  	_ =	shalt  }
0x54: {  	_ =	shalt  }
0x55: {  	_ =	shalt  }
0x56: {  	_ =	shalt  }
0x57: {  	_ =	shalt  }
0x58: {  	_ =	shalt  }
0x59: {  	_ =	shalt  }
0x5a: {  	_ =	shalt  }
0x5b: {  	_ =	shalt  }
0x5c: {  	_ =	shalt  }
0x5d: {  	_ =	shalt  }
0x5e: {  	_ =	shalt  }
0x5f: {  	_ =	shalt  }
0x60: {  	_ =	shalt  }
0x61: {  	_ =	shalt  }
0x62: {  	_ =	shalt  }
0x63: {  	_ =	shalt  }
0x64: {  	_ =	shalt  }
0x65: {  	_ =	shalt  }
0x66: {  	_ =	shalt  }
0x67: {  	_ =	shalt  }
0x68: {  	_ =	shalt  }
0x69: {  	_ =	shalt  }
0x6a: {  	_ =	shalt  }
0x6b: {  	_ =	shalt  }
0x6c: {  	_ =	shalt  }
0x6d: {  	_ =	shalt  }
0x6e: {  	_ =	shalt  }
0x6f: {  	_ =	shalt  }
0x70: {  	_ =	shalt  }
0x71: {  	_ =	shalt  }
0x72: {  	_ =	shalt  }
0x73: {  	_ =	shalt  }
0x74: {  	_ =	shalt  }
0x75: {  	_ =	shalt  }
0x76: {  	_ =	shalt  }
0x77: {  	_ =	shalt  }
0x78: {  	_ =	shalt  }
0x79: {  	_ =	shalt  }
0x7a: {  	_ =	shalt  }
0x7b: {  	_ =	shalt  }
0x7c: {  	_ =	shalt  }
0x7d: {  	_ =	shalt  }
0x7e: {  	_ =	shalt  }
0x7f: {  	_ =	shalt  }
0x80: {  	_ =	shalt  }
0x81: {  	_ =	shalt  }
0x82: {  	_ =	shalt  }
0x83: {  	_ =	shalt  }
0x84: {  	_ =	shalt  }
0x85: {  	_ =	shalt  }
0x86: {  	_ =	shalt  }
0x87: {  	_ =	shalt  }
.Lfunc_end0:
.L_simem_size_0:
called_computation_lowered:
.L_overlay_start_0:
0x88: {  	s2 =	sld [smem:$0x3FD9]  }
0x89: {  	s3 =	sld [smem:$0x3FFE];
	_ =	sdelay $0x1  }
0x8a: {  	s1 =	srdreg.scid  }
0x8b: {  	s0 =	sand.u32 $0x1, s1  }
0x8c: {  	s17 =	sshll.u32 s0, $0xA;
	s2 =	sadd.s32 s3, s2  }
0x8d: {  	s2 =	sadd.s32 s2, s17  }
0x8e: {  	[smem:$0x3FC0] =	sst s2  }
0x8f: {  	_ = 	snop  }
0x90: {  	s2 =	sld [smem:$0x3FD0];
	(tm) =	ssettm $0x1  }
0x91: {  	s18 =	sld [smem:$0x3FFB];
	_ =	sdelay $0x3  }
0x92: {  	_ =	strace s18  }
0x93: {  	s3 =	sld [smem:$0x3FFC];
	_ =	sdelay $0x3  }
0x94: {  	_ =	strace s3  }
0x95: {  	s3 =	sld [smem:$0x3FFD];
	_ =	sdelay $0x3  }
0x96: {  	_ =	strace s3  }
0x97: {  	_ =	strace $0x8FFFFFFF  }
0x98: {  	s19 =	sld [smem:$0x3FDB];
	_ =	sdelay $0x1  }
0x99: {  	s4 =	simm.s32 $_scs_section_size  }
0x9a: {  	s5 =	simm.s32 $_size__tile_overlayer_lowered;
	s6 =	simm.s32 $_tile_overlayer_lowered  }
0x9b: {  	s22 =	simm.s32 $0x1BFF;
	s21 =	sshll.u32 s6, $0x1;
	s3 =	sadd.s32 s4, s19  }
0x9c: {  	s7 =	simm.s32 $0x0;
	s20 =	sshll.u32 s5, $0x1;
	s5 =	sadd.s32 s21, s3  }
0x9d: {  	[timem:s7], [sflag:s22] =	dma.local [hbm:s5], s20  }
0x9e: {  	_ =	swait.ge [sflag:s22], s20  }
0x9f: {  	s4 =	ssub.s32 $0x0, s20;
	[sflag:s22] =	ssyncset.done $0x0  }
0xa0: {  	[sflag:s22] =	ssyncadd.s32 s4;
	_ =	sdelay $0x1  }
0xa1: {  	s23 =	simm.s32 $0x1B8B  }
0xa2: {  	_ =	swait.ge [sflag:s23], $0x1  }
0xa3: {  	[sflag:s23] =	ssyncset.done $0x0  }
0xa4: {  	s25 =	simm.s32 $0x1B8E;
	s24 =	sld [smem:$0x3FFE];
	[sflag:s23] =	ssyncadd.s32 $0xFFFFFFFF  }
0xa5: {  	s26 =	simm.s32 $execute0_lowered;
	[smem:$0x3FD2] =	sst s25  }
0xa6: {  	s5 =	sshll.u32 s26, $0x1;
	_ =	strace $0x80000046;
	[dreg:$0x1] =	wrdreg $0xFFFFFFFF  }
0xa7: {  	s28 =	simm.s32 $_size_execute0_lowered;
	s3 =	sadd.s32 s3, s5;
	[dreg:$0x0] =	wrdreg $0x0  }
0xa8: {  	s5 =	sshll.u32 s28, $0x1;
	[dreg:$0x2] =	wrdreg s3  }
0xa9: {  	[dreg:$0x3] =	wrdreg s5  }
0xaa: {  	[dreg:$0x4] =	wrdreg $0xC0  }
0xab: {  	_ =	task [dreg:s7], $0x5FFFF  }
0xac: {  	[dreg:$0x1] =	wrdreg $0xFFFFFFFF  }
0xad: {  	[dreg:$0x0] =	wrdreg $0x60  }
0xae: {  	[dreg:$0x2] =	wrdreg s24  }
0xaf: {  	[dreg:$0x3] =	wrdreg s2  }
0xb0: {  	[dreg:$0x4] =	wrdreg $0xA0000  }
0xb1: {  	[dreg:$0x5] =	wrdreg $0xF0000  }
0xb2: {  	[dreg:$0x6] =	wrdreg $0x140800  }
0xb3: {  	[dreg:$0x7] =	wrdreg $0x9  }
0xb4: {  	_ =	task.clear_ibuf [dreg:s7], $0x8FFFF;
	_ =	strace $0x90000046  }
0xb5: {  	s29 =	simm.s32 $0x9;
	_ =	strace $0x80000048  }
0xb6: {  	_ =	swait.ge [sflag:s29], $0x1  }
0xb7: {  	[sflag:s29] =	ssyncadd.s32 $0xFFFFFFFF  }
0xb8: {  	_ =	strace $0x90000048  }
0xb9: {  	_ =	sfence  }
0xba: {  	s30 =	sld [smem:$0x0];
	_ =	sdelay $0x2  }
0xbb: {  	s31 =	sshll.u32 s1, $0xD;
	s1 =	sshrl.u32 s1, $0x2  }
0xbc: {  	s3 =	sand.u32 $0x4000, s31;
	s1 =	sadd.s32 s1, s30  }
0xbd: {  	s0 =	sor.u32 s3, s0;
	s1 =	sshll.u32 s1, $0x11  }
0xbe: {  	s0 =	sor.u32 s1, s0  }
0xbf: {  	s0 =	sadd.s32 $0x8F2B, s0  }
0xc0: {  	[sflag:s0] =	ssyncadd.remote.s32 $0x1  }
0xc1: {  	_ =	sfence.sel $0xFFFF  }
0xc2: {  	[dreg:$0x0] =	wrdreg $0xFFFFFFFF;
	(pc) =	sbr.abs _section_cstart, $3  }
0xc3: {  	[dreg:$0x1] =	wrdreg $0xFFFFFFFF  }
0xc4: {  	_ =	task.clear_ibuf [dreg:s7], $0x2FFFF;
	_ =	strace $0x9FFFFFFF  }
0xc5: {  	(tm) =	ssettm $0x7FFFFFFF  }
tec
execute0_lowered:
.L_overlay_start_1:
0x0: {  	(tag) =	ssettag $0x1  }
0x1: {  	s0 =	rddreg [dreg:$0x0]  }
0x2: {  	s3 =	rddreg [dreg:$0x1]  }
0x3: {  	s1 =	rddreg [dreg:$0x2]  }
0x4: {  	s2 =	rddreg [dreg:$0x3]  }
0x5: {  	s4 =	rddreg [dreg:$0x4]  }
0x6: {  	s18 =	stileid.u32;
	s5 =	srdreg.scid  }
0x7: {  	s7 =	simm.s32 $0x0;
	s28 =	simm.s32 $0x9000;
	s29 =	simm.s32 $0x1  }
0x8: {  	s30 =	simm.s32 $0x14000;
	s31 =	simm.s32 $0x2;
	s8 =	smul.u32 $0x5000, s18  }
0x9: {  	s5 =	sand.u32 $0x1, s5;
	s6 =	sshll.u32 s18, $0x1;
	s14 =	smul.u32 $0x280, s18  }
0xa: {  	[smem:$0x7FF] =	sst s7;
	s21 =	sshll.u32 s18, $0x6;
	s19 =	smul.u32 $0xA000, s5  }
0xb: {  	s9 =	sor.u32 s5, s6;
	_ =	strace $0x80000047;
	s12 =	smul.u32 $0x500, s5  }
0xc: {  	s5 =	ssub.s32 $0x2, s5;
	s7 =	sor.u32 $0x1C03, s21;
	s21 =	simm.s32 $0x5000  }
0xd: {  	s10 =	sshrl.u32 s8, $0x3;
	s6 =	smul.u32 $0x2800, s9;
	s20 =	sshrl.u32 s5, $0x1  }
0xe: {  	s17 =	sadd.s32 s8, s1;
	s22 =	sadd.s32 s8, s2;
	s25 =	sshrl.u32 s14, $0x3  }
0xf: {  	p0 =	seq.s32 s9, $0x1F;
	s11 =	sadd.s32 s10, s0;
	s15 =	sadd.s32 s19, s0  }
0x10: {  	s16 =	sadd.s32 s12, s0;
	s5 =	ssub.s32 s5, s20;
	s12 =	sadd.s32 $0x1F740, s0  }
0x11: {  	s18 =	sshrl.u32 s22, $0x3;
	s20 =	simm.s32 $0x80;
	s6 =	sshrl.u32 s6, $0x3  }
0x12: {  	s8 =	sadd.s32 $0x2000, s11;
	s26 =	sadd.s32 $0x29A00, s15;
	s19 =	sadd.s32 $0x3DA00, s16  }
0x13: {  	s15 =	smax.u32 s5, $0x1;
	s16 =	sshrl.u32 s17, $0x3;
	s17 =	simm.s32 $0x3  }
0x14: {  	s13 =	sadd.s32 s6, s0;
	s6 =	sadd.s32 $0x1FA00, s11;
	s11 =	sadd.s32 $0x15B00, s0  }
0x15: {  	s22 =	sadd.s32 s10, s26;
	s26 =	simm.s32 $0x8000;
	s23 =	sadd.s32 $0xC000, s13  }
0x16: {  	s24 =	sadd.s32 $0x15C40, s13;
	s13 =	sadd.s32 s14, s4;
	[dreg:$0x6] =	wrdreg s23  }
0x17: {  	s14 =	sadd.s32 s3, s25;
	s3 =	simm.s32 $0x0;
	[dreg:$0x7] =	wrdreg s24  }
0x18: {  	v0 =	vlaneseq.u32;
	v1 =	vimm.f32 $1.000000000e+00;
	s23 =	simm.s32 $0x6000;
	s24 =	sadd.s32 s25, s19;
	s25 =	simm.s32 $0x7000  }
.LBB2_1:
0x19: {  	[spmem:s16], [sflag:s7] =	dma.local [hbm:s6], $0xA00  }
0x1a: {  	_ =	swait.ge [sflag:s17], $0xA00  }
0x1b: {  	[sflag:s17] =	ssyncset.done $0x0  }
.Ltmp0:
0x1c: {  	[sflag:s17] =	ssyncadd.s32 $0xFFFFF600;
	(pc) =	sbr.rel @!p0 .LBB2_2-.Ltmp0, $4  }
0x1d: {  	[spmem:s18], [sflag:s7] =	dma.local [hbm:s8], $0xA00  }
0x1e: {  	_ =	swait.ge [sflag:s17], $0xA00  }
0x1f: {  	[sflag:s17] =	ssyncset.done $0x0  }
0x20: {  	s0 =	simm.s32 $0x0;
	[sflag:s17] =	ssyncadd.s32 $0xFFFFF600  }
0x21: {  	[tilespmem:s0], [sflag:$0x3] =	stream.linear.gather [hbm4b:s11+s0], $0x2800, $0x38;
	[tilespmem:$0x14300] =	vst v63  }
0x22: {  	s5 =	smul.u32 $0x8889, s0  }
0x23: {  	_ =	swait.ge [sflag:s17], $0x2800  }
0x24: {  	[sflag:s17] =	ssyncset.done $0x0;
	s5 =	sshrl.u32 s5, $0x17  }
0x25: {  	s9 =	simm.s32 $0x2800;
	[sflag:s17] =	ssyncadd.s32 $0xFFFFD800;
	s5 =	smul.u32 $0xF0, s5  }
0x26: {  	[tilespmem:s9], [sflag:$0x3] =	stream.linear.gather [hbm4b:s12+s0], $0xA00, $0x38;
	[tilespmem:$0x14300] =	vst v63  }
0x27: {  	s0 =	simm.s32 $0x10;
	s5 =	ssub.s32 $0x0, s5  }
0x28: {  	_ =	swait.ge [sflag:s17], $0xA00;
	s19 =	smul.u32 $0x8889, s0;
	s5 =	sadd.s32 $0x2710, s5  }
0x29: {  	[sflag:s17] =	ssyncset.done $0x0;
	s10 =	sand.u32 $0xFFFF, s5  }
0x2a: {  	[sflag:s17] =	ssyncadd.s32 $0xFFFFF600;
	s5 =	simm.s32 $0x3200;
	s19 =	sshrl.u32 s19, $0x17;
	v2 =	vor.u32 s10, v0  }
0x2b: {  	s9 =	simm.s32 $0x20;
	s10 =	smul.u32 $0xF0, s19;
	[tilespmem:s5+$0x0] =	vst v2  }
.LBB2_4:
0x2c: {  	s19 =	smul.u32 $0x8889, s9;
	p1 =	sne.s32 s9, $0x1DF0  }
.Ltmp1:
0x2d: {  	s10 =	ssub.s32 s0, s10;
	s0 =	smov.u32 s9;
	(pc) =	sbr.rel @p1 .LBB2_4-.Ltmp1, $4  }
0x2e: {  	s9 =	sadd.s32 $0x10, s9;
	s10 =	sadd.s32 $0x2710, s10  }
0x2f: {  	s10 =	sand.u32 $0xFFFF, s10  }
0x30: {  	s5 =	sadd.s32 $0x10, s5;
	s19 =	sshrl.u32 s19, $0x17;
	v2 =	vor.u32 s10, v0  }
0x31: {  	s10 =	smul.u32 $0xF0, s19;
	[tilespmem:s5+$0x0] =	vst v2  }
0x32: {  	_ = 	snop  }
.Ltmp2:
0x33: {  	s0 =	ssub.s32 s0, s10;
	(pc) =	sbr.rel .LBB2_6-.Ltmp2, $4  }
0x34: {  	s0 =	sadd.s32 $0x2710, s0  }
0x35: {  	s0 =	sand.u32 $0xFFFF, s0  }
0x36: {  	s19 =	sadd.s32 $0x10, s5;
	v2 =	vor.u32 s0, v0  }
0x37: {  	[tilespmem:s19+$0x0] =	vst v2  }
.LBB2_2:
0x38: {  	s5 =	rddreg [dreg:$0x6]  }
0x39: {  	[tilespmem:s0], [sflag:$0x3] =	stream.linear.gather [hbm4b:s5+s0], $0x2800, $0x38;
	[tilespmem:$0x14300] =	vst v63  }
0x3a: {  	_ =	swait.ge [sflag:s17], $0x2800  }
0x3b: {  	[sflag:s17] =	ssyncset.done $0x0  }
0x3c: {  	s9 =	simm.s32 $0x2800;
	s19 =	rddreg [dreg:$0x7];
	[sflag:s17] =	ssyncadd.s32 $0xFFFFD800  }
0x3d: {  	[tilespmem:s9], [sflag:$0x3] =	stream.linear.gather [hbm4b:s19+s0], $0x2800, $0x38;
	[tilespmem:$0x14300] =	vst v63  }
0x3e: {  	_ =	swait.ge [sflag:s17], $0x2800  }
0x3f: {  	[sflag:s17] =	ssyncset.done $0x0  }
0x40: {  	[sflag:s17] =	ssyncadd.s32 $0xFFFFD800  }
.LBB2_6:
0x41: {  	s0 =	sshrl.u32 s13, $0x3  }
0x42: {  	[spmem:s0], [sflag:s7] =	dma.local [hbm:s14], $0x50  }
0x43: {  	_ =	swait.ge [sflag:s17], $0x50  }
0x44: {  	[sflag:s17] =	ssyncset.done $0x0  }
0x45: {  	[sflag:s17] =	ssyncadd.s32 $0xFFFFFFB0  }
0x46: {  	[tilespmem:$0x14000] =	vst v1  }
0x47: {  	[tilespmem:$0x14010] =	vst v1  }
0x48: {  	[tilespmem:$0x14020] =	vst v1  }
0x49: {  	[tilespmem:$0x14030] =	vst v1  }
0x4a: {  	[tilespmem:$0x14040] =	vst v1  }
0x4b: {  	[tilespmem:$0x14050] =	vst v1  }
0x4c: {  	[tilespmem:$0x14060] =	vst v1  }
0x4d: {  	[tilespmem:$0x14070] =	vst v1  }
0x4e: {  	s5 =	simm.s32 $0x0;
	[bflag:$0x0] =	sbarrier.arrive $0xFFFF  }
0x4f: {  	[tilespmem:s21], [sflag:$0x1] =	stream.indirect.gather [spmem:s2], $0x20, s5, s20, $0xb8;
	[tilespmem:$0x14300] =	vst v63  }
0x50: {  	s9 =	simm.s32 $0x80  }
0x51: {  	[tilespmem:s23], [sflag:$0x1] =	stream.indirect.gather [spmem:s2], $0x20, s9, s20, $0xb8;
	[tilespmem:$0x14300] =	vst v63  }
0x52: {  	s10 =	simm.s32 $0x100  }
0x53: {  	[tilespmem:s25], [sflag:$0x1] =	stream.indirect.gather [spmem:s2], $0x20, s10, s20, $0xb8;
	[tilespmem:$0x14300] =	vst v63  }
0x54: {  	s19 =	simm.s32 $0x180  }
0x55: {  	[tilespmem:s26], [sflag:$0x1] =	stream.indirect.gather [spmem:s2], $0x20, s19, s20, $0xb8;
	[tilespmem:$0x14300] =	vst v63  }
0x56: {  	s9 =	simm.s32 $0x200  }
0x57: {  	[tilespmem:s28], [sflag:$0x1] =	stream.indirect.gather [spmem:s2], $0x20, s9, s20, $0xb8;
	[tilespmem:$0x14300] =	vst v63  }
0x58: {  	_ =	swait.ge [sflag:s29], $0x1000  }
0x59: {  	[sflag:s29] =	ssyncset.done $0x0  }
0x5a: {  	[sflag:s29] =	ssyncadd.s32 $0xFFFFF000  }
0x5b: {  	_ =	swait.ge [sflag:s29], $0x1000  }
0x5c: {  	[sflag:s29] =	ssyncset.done $0x0  }
0x5d: {  	[sflag:s29] =	ssyncadd.s32 $0xFFFFF000  }
0x5e: {  	_ =	swait.ge [sflag:s29], $0x1000  }
0x5f: {  	[sflag:s29] =	ssyncset.done $0x0  }
0x60: {  	[sflag:s29] =	ssyncadd.s32 $0xFFFFF000  }
0x61: {  	_ =	swait.ge [sflag:s29], $0x1000  }
0x62: {  	[sflag:s29] =	ssyncset.done $0x0  }
0x63: {  	[sflag:s29] =	ssyncadd.s32 $0xFFFFF000  }
0x64: {  	_ =	swait.ge [sflag:s29], $0x1000  }
0x65: {  	[sflag:s29] =	ssyncset.done $0x0  }
0x66: {  	s10 =	simm.s32 $0x2800;
	[sflag:s29] =	ssyncadd.s32 $0xFFFFF000  }
0x67: {  	[spmem:s1] =	stream.indirect.scatter.add.f32 [tilespmem:s21], [sflag:$0x2], $0x20, s10, s20, $0xb8;
	[tilespmem:$0x14300] =	vst v63  }
0x68: {  	_ = 	snop  }
0x69: {  	[spmem:s4] =	stream.indirect.scatter.add.f32 [tilespmem:s30], [sflag:$0x2], $0x1, s10, s20, $0xb8;
	[tilespmem:$0x14300] =	vst v63  }
0x6a: {  	s19 =	simm.s32 $0x2880  }
0x6b: {  	[spmem:s1] =	stream.indirect.scatter.add.f32 [tilespmem:s23], [sflag:$0x2], $0x20, s19, s20, $0xb8;
	[tilespmem:$0x14300] =	vst v63  }
0x6c: {  	_ = 	snop  }
0x6d: {  	[spmem:s4] =	stream.indirect.scatter.add.f32 [tilespmem:s30], [sflag:$0x2], $0x1, s19, s20, $0xb8;
	[tilespmem:$0x14300] =	vst v63  }
0x6e: {  	s9 =	simm.s32 $0x2900  }
0x6f: {  	[spmem:s1] =	stream.indirect.scatter.add.f32 [tilespmem:s25], [sflag:$0x2], $0x20, s9, s20, $0xb8;
	[tilespmem:$0x14300] =	vst v63  }
0x70: {  	_ = 	snop  }
0x71: {  	[spmem:s4] =	stream.indirect.scatter.add.f32 [tilespmem:s30], [sflag:$0x2], $0x1, s9, s20, $0xb8;
	[tilespmem:$0x14300] =	vst v63  }
0x72: {  	s10 =	simm.s32 $0x2980  }
0x73: {  	[spmem:s1] =	stream.indirect.scatter.add.f32 [tilespmem:s26], [sflag:$0x2], $0x20, s10, s20, $0xb8;
	[tilespmem:$0x14300] =	vst v63  }
0x74: {  	_ = 	snop  }
0x75: {  	[spmem:s4] =	stream.indirect.scatter.add.f32 [tilespmem:s30], [sflag:$0x2], $0x1, s10, s20, $0xb8;
	[tilespmem:$0x14300] =	vst v63  }
0x76: {  	s19 =	simm.s32 $0x2A00  }
0x77: {  	[spmem:s1] =	stream.indirect.scatter.add.f32 [tilespmem:s28], [sflag:$0x2], $0x20, s19, s20, $0xb8;
	[tilespmem:$0x14300] =	vst v63  }
0x78: {  	_ = 	snop  }
0x79: {  	[spmem:s4] =	stream.indirect.scatter.add.f32 [tilespmem:s30], [sflag:$0x2], $0x1, s19, s20, $0xb8;
	[tilespmem:$0x14300] =	vst v63  }
0x7a: {  	_ =	swait.ge [sflag:s31], $0x1000  }
0x7b: {  	[sflag:s31] =	ssyncset.done $0x0  }
0x7c: {  	[sflag:s31] =	ssyncadd.s32 $0xFFFFF000  }
0x7d: {  	_ =	swait.ge [sflag:s31], $0x80  }
0x7e: {  	[sflag:s31] =	ssyncset.done $0x0  }
0x7f: {  	[sflag:s31] =	ssyncadd.s32 $0xFFFFFF80  }
0x80: {  	_ =	swait.ge [sflag:s31], $0x1000  }
0x81: {  	[sflag:s31] =	ssyncset.done $0x0  }
0x82: {  	[sflag:s31] =	ssyncadd.s32 $0xFFFFF000  }
0x83: {  	_ =	swait.ge [sflag:s31], $0x80  }
0x84: {  	[sflag:s31] =	ssyncset.done $0x0  }
0x85: {  	[sflag:s31] =	ssyncadd.s32 $0xFFFFFF80  }
0x86: {  	_ =	swait.ge [sflag:s31], $0x1000  }
0x87: {  	[sflag:s31] =	ssyncset.done $0x0  }
0x88: {  	[sflag:s31] =	ssyncadd.s32 $0xFFFFF000  }
0x89: {  	_ =	swait.ge [sflag:s31], $0x80  }
0x8a: {  	[sflag:s31] =	ssyncset.done $0x0  }
0x8b: {  	[sflag:s31] =	ssyncadd.s32 $0xFFFFFF80  }
0x8c: {  	_ =	swait.ge [sflag:s31], $0x1000  }
0x8d: {  	[sflag:s31] =	ssyncset.done $0x0  }
0x8e: {  	[sflag:s31] =	ssyncadd.s32 $0xFFFFF000  }
0x8f: {  	_ =	swait.ge [sflag:s31], $0x80  }
0x90: {  	[sflag:s31] =	ssyncset.done $0x0  }
0x91: {  	[sflag:s31] =	ssyncadd.s32 $0xFFFFFF80  }
0x92: {  	_ =	swait.ge [sflag:s31], $0x1000  }
0x93: {  	[sflag:s31] =	ssyncset.done $0x0  }
0x94: {  	[sflag:s31] =	ssyncadd.s32 $0xFFFFF000  }
0x95: {  	_ =	swait.ge [sflag:s31], $0x80  }
0x96: {  	s5 =	simm.s32 $0xA00;
	s9 =	simm.s32 $0x1400;
	[sflag:s31] =	ssyncset.done $0x0  }
.LBB2_7:
0x97: {  	s19 =	sshra.s32 s5, $0x2  }
0x98: {  	[sflag:s31] =	ssyncadd.s32 $0xFFFFFF80;
	s5 =	smov.u32 s9;
	s10 =	sadd.s32 $0xA00, s9  }
0x99: {  	[tilespmem:s21], [sflag:$0x1] =	stream.indirect.gather [spmem:s2], $0x20, s19, s20, $0xb8;
	[tilespmem:$0x14300] =	vst v63  }
0x9a: {  	p1 =	sne.s32 s9, $0x9600;
	s9 =	sadd.s32 $0x80, s19  }
0x9b: {  	[tilespmem:s23], [sflag:$0x1] =	stream.indirect.gather [spmem:s2], $0x20, s9, s20, $0xb8;
	[tilespmem:$0x14300] =	vst v63  }
0x9c: {  	s9 =	sadd.s32 $0x100, s19  }
0x9d: {  	[tilespmem:s25], [sflag:$0x1] =	stream.indirect.gather [spmem:s2], $0x20, s9, s20, $0xb8;
	[tilespmem:$0x14300] =	vst v63  }
0x9e: {  	s9 =	sadd.s32 $0x180, s19  }
0x9f: {  	[tilespmem:s26], [sflag:$0x1] =	stream.indirect.gather [spmem:s2], $0x20, s9, s20, $0xb8;
	[tilespmem:$0x14300] =	vst v63  }
0xa0: {  	s9 =	sadd.s32 $0x200, s19  }
0xa1: {  	[tilespmem:s28], [sflag:$0x1] =	stream.indirect.gather [spmem:s2], $0x20, s9, s20, $0xb8;
	[tilespmem:$0x14300] =	vst v63  }
0xa2: {  	_ =	swait.ge [sflag:s29], $0x1000  }
0xa3: {  	[sflag:s29] =	ssyncset.done $0x0  }
0xa4: {  	[sflag:s29] =	ssyncadd.s32 $0xFFFFF000  }
0xa5: {  	_ =	swait.ge [sflag:s29], $0x1000  }
0xa6: {  	[sflag:s29] =	ssyncset.done $0x0  }
0xa7: {  	[sflag:s29] =	ssyncadd.s32 $0xFFFFF000  }
0xa8: {  	_ =	swait.ge [sflag:s29], $0x1000  }
0xa9: {  	[sflag:s29] =	ssyncset.done $0x0  }
0xaa: {  	[sflag:s29] =	ssyncadd.s32 $0xFFFFF000  }
0xab: {  	_ =	swait.ge [sflag:s29], $0x1000  }
0xac: {  	[sflag:s29] =	ssyncset.done $0x0  }
0xad: {  	[sflag:s29] =	ssyncadd.s32 $0xFFFFF000  }
0xae: {  	_ =	swait.ge [sflag:s29], $0x1000  }
0xaf: {  	[sflag:s29] =	ssyncset.done $0x0  }
0xb0: {  	s9 =	sadd.s32 $0x2800, s19;
	[sflag:s29] =	ssyncadd.s32 $0xFFFFF000  }
0xb1: {  	[spmem:s1] =	stream.indirect.scatter.add.f32 [tilespmem:s21], [sflag:$0x2], $0x20, s9, s20, $0xb8;
	[tilespmem:$0x14300] =	vst v63  }
0xb2: {  	_ = 	snop  }
0xb3: {  	[spmem:s4] =	stream.indirect.scatter.add.f32 [tilespmem:s30], [sflag:$0x2], $0x1, s9, s20, $0xb8;
	[tilespmem:$0x14300] =	vst v63  }
0xb4: {  	s9 =	sadd.s32 $0x2880, s19  }
0xb5: {  	[spmem:s1] =	stream.indirect.scatter.add.f32 [tilespmem:s23], [sflag:$0x2], $0x20, s9, s20, $0xb8;
	[tilespmem:$0x14300] =	vst v63  }
0xb6: {  	_ = 	snop  }
0xb7: {  	[spmem:s4] =	stream.indirect.scatter.add.f32 [tilespmem:s30], [sflag:$0x2], $0x1, s9, s20, $0xb8;
	[tilespmem:$0x14300] =	vst v63  }
0xb8: {  	s9 =	sadd.s32 $0x2900, s19  }
0xb9: {  	[spmem:s1] =	stream.indirect.scatter.add.f32 [tilespmem:s25], [sflag:$0x2], $0x20, s9, s20, $0xb8;
	[tilespmem:$0x14300] =	vst v63  }
0xba: {  	_ = 	snop  }
0xbb: {  	[spmem:s4] =	stream.indirect.scatter.add.f32 [tilespmem:s30], [sflag:$0x2], $0x1, s9, s20, $0xb8;
	[tilespmem:$0x14300] =	vst v63  }
0xbc: {  	s9 =	sadd.s32 $0x2980, s19  }
0xbd: {  	[spmem:s1] =	stream.indirect.scatter.add.f32 [tilespmem:s26], [sflag:$0x2], $0x20, s9, s20, $0xb8;
	[tilespmem:$0x14300] =	vst v63  }
0xbe: {  	_ = 	snop  }
0xbf: {  	[spmem:s4] =	stream.indirect.scatter.add.f32 [tilespmem:s30], [sflag:$0x2], $0x1, s9, s20, $0xb8;
	[tilespmem:$0x14300] =	vst v63  }
0xc0: {  	s9 =	sadd.s32 $0x2A00, s19  }
0xc1: {  	[spmem:s1] =	stream.indirect.scatter.add.f32 [tilespmem:s28], [sflag:$0x2], $0x20, s9, s20, $0xb8;
	[tilespmem:$0x14300] =	vst v63  }
0xc2: {  	_ = 	snop  }
0xc3: {  	[spmem:s4] =	stream.indirect.scatter.add.f32 [tilespmem:s30], [sflag:$0x2], $0x1, s9, s20, $0xb8;
	[tilespmem:$0x14300] =	vst v63  }
0xc4: {  	_ =	swait.ge [sflag:s31], $0x1000  }
0xc5: {  	[sflag:s31] =	ssyncset.done $0x0  }
0xc6: {  	[sflag:s31] =	ssyncadd.s32 $0xFFFFF000  }
0xc7: {  	_ =	swait.ge [sflag:s31], $0x80  }
0xc8: {  	[sflag:s31] =	ssyncset.done $0x0  }
0xc9: {  	[sflag:s31] =	ssyncadd.s32 $0xFFFFFF80  }
0xca: {  	_ =	swait.ge [sflag:s31], $0x1000  }
0xcb: {  	[sflag:s31] =	ssyncset.done $0x0  }
0xcc: {  	[sflag:s31] =	ssyncadd.s32 $0xFFFFF000  }
0xcd: {  	_ =	swait.ge [sflag:s31], $0x80  }
0xce: {  	[sflag:s31] =	ssyncset.done $0x0  }
0xcf: {  	[sflag:s31] =	ssyncadd.s32 $0xFFFFFF80  }
0xd0: {  	_ =	swait.ge [sflag:s31], $0x1000  }
0xd1: {  	[sflag:s31] =	ssyncset.done $0x0  }
0xd2: {  	[sflag:s31] =	ssyncadd.s32 $0xFFFFF000  }
0xd3: {  	_ =	swait.ge [sflag:s31], $0x80  }
0xd4: {  	[sflag:s31] =	ssyncset.done $0x0  }
0xd5: {  	[sflag:s31] =	ssyncadd.s32 $0xFFFFFF80  }
0xd6: {  	_ =	swait.ge [sflag:s31], $0x1000  }
0xd7: {  	[sflag:s31] =	ssyncset.done $0x0  }
0xd8: {  	[sflag:s31] =	ssyncadd.s32 $0xFFFFF000  }
0xd9: {  	_ =	swait.ge [sflag:s31], $0x80  }
0xda: {  	[sflag:s31] =	ssyncset.done $0x0  }
0xdb: {  	[sflag:s31] =	ssyncadd.s32 $0xFFFFFF80  }
.Ltmp3:
0xdc: {  	_ =	swait.ge [sflag:s31], $0x1000;
	(pc) =	sbr.rel @p1 .LBB2_7-.Ltmp3, $4  }
0xdd: {  	[sflag:s31] =	ssyncset.done $0x0  }
0xde: {  	[sflag:s31] =	ssyncadd.s32 $0xFFFFF000  }
0xdf: {  	_ =	swait.ge [sflag:s31], $0x80  }
0xe0: {  	s9 =	smov.u32 s10;
	[sflag:s31] =	ssyncset.done $0x0  }
0xe1: {  	s5 =	sshra.s32 s5, $0x2;
	[sflag:s31] =	ssyncadd.s32 $0xFFFFFF80  }
0xe2: {  	[tilespmem:s21], [sflag:$0x1] =	stream.indirect.gather [spmem:s2], $0x20, s5, s20, $0xb8;
	[tilespmem:$0x14300] =	vst v63  }
0xe3: {  	s9 =	sadd.s32 $0x80, s5  }
0xe4: {  	[tilespmem:s23], [sflag:$0x1] =	stream.indirect.gather [spmem:s2], $0x20, s9, s20, $0xb8;
	[tilespmem:$0x14300] =	vst v63  }
0xe5: {  	s19 =	sadd.s32 $0x100, s5  }
0xe6: {  	[tilespmem:s25], [sflag:$0x1] =	stream.indirect.gather [spmem:s2], $0x20, s19, s20, $0xb8;
	[tilespmem:$0x14300] =	vst v63  }
0xe7: {  	s10 =	sadd.s32 $0x180, s5  }
0xe8: {  	[tilespmem:s26], [sflag:$0x1] =	stream.indirect.gather [spmem:s2], $0x20, s10, s20, $0xb8;
	[tilespmem:$0x14300] =	vst v63  }
0xe9: {  	s19 =	sadd.s32 $0x200, s5  }
0xea: {  	[tilespmem:s28], [sflag:$0x1] =	stream.indirect.gather [spmem:s2], $0x20, s19, s20, $0xb8;
	[tilespmem:$0x14300] =	vst v63  }
0xeb: {  	_ =	swait.ge [sflag:s29], $0x1000  }
0xec: {  	[sflag:s29] =	ssyncset.done $0x0  }
0xed: {  	[sflag:s29] =	ssyncadd.s32 $0xFFFFF000  }
0xee: {  	_ =	swait.ge [sflag:s29], $0x1000  }
0xef: {  	[sflag:s29] =	ssyncset.done $0x0  }
0xf0: {  	[sflag:s29] =	ssyncadd.s32 $0xFFFFF000  }
0xf1: {  	_ =	swait.ge [sflag:s29], $0x1000  }
0xf2: {  	[sflag:s29] =	ssyncset.done $0x0  }
0xf3: {  	[sflag:s29] =	ssyncadd.s32 $0xFFFFF000  }
0xf4: {  	_ =	swait.ge [sflag:s29], $0x1000  }
0xf5: {  	[sflag:s29] =	ssyncset.done $0x0  }
0xf6: {  	[sflag:s29] =	ssyncadd.s32 $0xFFFFF000  }
0xf7: {  	_ =	swait.ge [sflag:s29], $0x1000  }
0xf8: {  	[sflag:s29] =	ssyncset.done $0x0  }
0xf9: {  	s10 =	sadd.s32 $0x2800, s5;
	[sflag:s29] =	ssyncadd.s32 $0xFFFFF000  }
0xfa: {  	[spmem:s1] =	stream.indirect.scatter.add.f32 [tilespmem:s21], [sflag:$0x2], $0x20, s10, s20, $0xb8;
	[tilespmem:$0x14300] =	vst v63  }
0xfb: {  	_ = 	snop  }
0xfc: {  	[spmem:s4] =	stream.indirect.scatter.add.f32 [tilespmem:s30], [sflag:$0x2], $0x1, s10, s20, $0xb8;
	[tilespmem:$0x14300] =	vst v63  }
0xfd: {  	s19 =	sadd.s32 $0x2880, s5  }
0xfe: {  	[spmem:s1] =	stream.indirect.scatter.add.f32 [tilespmem:s23], [sflag:$0x2], $0x20, s19, s20, $0xb8;
	[tilespmem:$0x14300] =	vst v63  }
0xff: {  	_ = 	snop  }
0x100: {  	[spmem:s4] =	stream.indirect.scatter.add.f32 [tilespmem:s30], [sflag:$0x2], $0x1, s19, s20, $0xb8;
	[tilespmem:$0x14300] =	vst v63  }
0x101: {  	s10 =	sadd.s32 $0x2900, s5  }
0x102: {  	[spmem:s1] =	stream.indirect.scatter.add.f32 [tilespmem:s25], [sflag:$0x2], $0x20, s10, s20, $0xb8;
	[tilespmem:$0x14300] =	vst v63  }
0x103: {  	_ = 	snop  }
0x104: {  	[spmem:s4] =	stream.indirect.scatter.add.f32 [tilespmem:s30], [sflag:$0x2], $0x1, s10, s20, $0xb8;
	[tilespmem:$0x14300] =	vst v63  }
0x105: {  	s19 =	sadd.s32 $0x2980, s5  }
0x106: {  	[spmem:s1] =	stream.indirect.scatter.add.f32 [tilespmem:s26], [sflag:$0x2], $0x20, s19, s20, $0xb8;
	[tilespmem:$0x14300] =	vst v63  }
0x107: {  	_ = 	snop  }
0x108: {  	[spmem:s4] =	stream.indirect.scatter.add.f32 [tilespmem:s30], [sflag:$0x2], $0x1, s19, s20, $0xb8;
	[tilespmem:$0x14300] =	vst v63  }
0x109: {  	s5 =	sadd.s32 $0x2A00, s5  }
0x10a: {  	[spmem:s1] =	stream.indirect.scatter.add.f32 [tilespmem:s28], [sflag:$0x2], $0x20, s5, s20, $0xb8;
	[tilespmem:$0x14300] =	vst v63  }
0x10b: {  	_ = 	snop  }
0x10c: {  	[spmem:s4] =	stream.indirect.scatter.add.f32 [tilespmem:s30], [sflag:$0x2], $0x1, s5, s20, $0xb8;
	[tilespmem:$0x14300] =	vst v63  }
0x10d: {  	_ =	swait.ge [sflag:s31], $0x1000  }
0x10e: {  	[sflag:s31] =	ssyncset.done $0x0  }
0x10f: {  	[sflag:s31] =	ssyncadd.s32 $0xFFFFF000  }
0x110: {  	_ =	swait.ge [sflag:s31], $0x80  }
0x111: {  	[sflag:s31] =	ssyncset.done $0x0  }
0x112: {  	[sflag:s31] =	ssyncadd.s32 $0xFFFFFF80  }
0x113: {  	_ =	swait.ge [sflag:s31], $0x1000  }
0x114: {  	[sflag:s31] =	ssyncset.done $0x0  }
0x115: {  	[sflag:s31] =	ssyncadd.s32 $0xFFFFF000  }
0x116: {  	_ =	swait.ge [sflag:s31], $0x80  }
0x117: {  	[sflag:s31] =	ssyncset.done $0x0  }
0x118: {  	[sflag:s31] =	ssyncadd.s32 $0xFFFFFF80  }
0x119: {  	_ =	swait.ge [sflag:s31], $0x1000  }
0x11a: {  	[sflag:s31] =	ssyncset.done $0x0  }
0x11b: {  	[sflag:s31] =	ssyncadd.s32 $0xFFFFF000  }
0x11c: {  	_ =	swait.ge [sflag:s31], $0x80  }
0x11d: {  	[sflag:s31] =	ssyncset.done $0x0  }
0x11e: {  	[sflag:s31] =	ssyncadd.s32 $0xFFFFFF80  }
0x11f: {  	_ =	swait.ge [sflag:s31], $0x1000  }
0x120: {  	[sflag:s31] =	ssyncset.done $0x0  }
0x121: {  	[sflag:s31] =	ssyncadd.s32 $0xFFFFF000  }
0x122: {  	_ =	swait.ge [sflag:s31], $0x80  }
0x123: {  	[sflag:s31] =	ssyncset.done $0x0  }
0x124: {  	[sflag:s31] =	ssyncadd.s32 $0xFFFFFF80  }
0x125: {  	_ =	swait.ge [sflag:s31], $0x1000  }
0x126: {  	[sflag:s31] =	ssyncset.done $0x0  }
0x127: {  	[sflag:s31] =	ssyncadd.s32 $0xFFFFF000  }
0x128: {  	_ =	swait.ge [sflag:s31], $0x80  }
0x129: {  	[sflag:s31] =	ssyncset.done $0x0  }
0x12a: {  	[sflag:s31] =	ssyncadd.s32 $0xFFFFFF80  }
0x12b: {  	[bflag:$0x0] =	sbarrier.arrive $0xFFFF  }
0x12c: {  	[hbm:s22], [sflag:s7] =	dma.local [spmem:s16], $0xA00  }
0x12d: {  	s3 =	sadd.s32 $0x1, s3;
	_ =	swait.ge [sflag:s17], $0xA00  }
0x12e: {  	p1 =	sne.s32 s3, s15;
	[sflag:s17] =	ssyncset.done $0x0  }
.Ltmp4:
0x12f: {  	[sflag:s17] =	ssyncadd.s32 $0xFFFFF600;
	(pc) =	sbr.rel @p1 .LBB2_1-.Ltmp4, $4  }
0x130: {  	[hbm:s24], [sflag:s7] =	dma.local [spmem:s0], $0x50  }
0x131: {  	_ =	swait.ge [sflag:s17], $0x50  }
0x132: {  	[sflag:s17] =	ssyncset.done $0x0  }
0x133: {  	[sflag:s17] =	ssyncadd.s32 $0xFFFFFFB0  }
0x134: {  	_ =	sfence.sel $0x180000  }
0x135: {  	[bflag:$0x0] =	sbarrier.arrive $0xFFFF  }
0x136: {  	_ =	strace $0x90000047  }
0x137: {  	s0 =	stileid.u32;
	[bflag:$0x2] =	sbarrier.arrive $0xFFFF  }
0x138: {  	p0 =	sne.s32 s0, $0x0;
	s0 =	rddreg [dreg:$0x5]  }
0x139: {  	s0 =	sadd.s32 @!p0 $0x100000, s0  }
0x13a: {  	[sflag:s0] =	ssyncadd.tile.s32 @!p0 $0x1;
	_ =	shalt  }
.Lfunc_end2:
_tile_overlayer_lowered:
.L_overlay_start_2:
0x13b: {  	(tag) =	ssettag $0x2  }
0x13c: {  	s0 =	rddreg [dreg:$0x0];
	s2 =	stileid.u32  }
0x13d: {  	s1 =	rddreg [dreg:$0x1];
	p0 =	sne.s32 s2, $0x0  }
0x13e: {  	s3 =	rddreg [dreg:$0x2];
	[bflag:$0x3] =	sbarrier.arrive $0xFFFF;
	s2 =	simm.s32 @!p0 $0x1C03  }
0x13f: {  	[timem:s3], [sflag:s2] =	dma.local @!p0 [hbm:s0], s1  }
0x140: {  	s0 =	simm.s32 @!p0 $0x3  }
0x141: {  	_ =	swait.ge @!p0 [sflag:s0], s1  }
0x142: {  	s1 =	ssub.s32 @!p0 $0x0, s1;
	[sflag:s0] =	ssyncset.done @!p0 $0x0  }
0x143: {  	[sflag:s0] =	ssyncadd.s32 @!p0 s1  }
0x144: {  	[bflag:$0x3] =	sbarrier.arrive $0xFFFF  }
0x145: {  	_ =	shalt  }

</sc_bundles>
